<compile_context>
chip_gen: v7x
topology: tpu7x:2x2x1
jax: 0.10.2.dev20260603
libtpu: 0.0.44.dev20260713+nightly
codegen_flags: <defaults>
</compile_context>

<pallas_src>
import functools

import jax
import jax.numpy as jnp
from jax import lax
from jax.experimental import pallas as pl
from jax.experimental.pallas import tpu as pltpu
from jax.experimental.pallas import tpu_sc as plsc


@functools.lru_cache(maxsize=None)
def _build_gather(n_tokens: int, hidden: int):
    info = plsc.get_sparse_core_info()
    nc, ns = info.num_cores, info.num_subcores
    nw = nc * ns
    assert n_tokens % nw == 0
    rows_per_w = n_tokens // nw
    chunk = 8
    nbuf = 15
    look = 11
    n_chunks = rows_per_w // chunk

    mesh = plsc.VectorSubcoreMesh(core_axis_name="c", subcore_axis_name="s")

    @functools.partial(
        pl.kernel,
        mesh=mesh,
        out_type=jax.ShapeDtypeStruct((n_tokens, hidden), jnp.float32),
        scratch_types=[
            pltpu.VMEM((rows_per_w,), jnp.int32),
            pltpu.VMEM((nbuf, chunk, hidden), jnp.float32),
            pltpu.SemaphoreType.DMA,
            pltpu.SemaphoreType.DMA,
        ],
    )
    def gather_k(table_hbm, idx_hbm, out_hbm, idx_v, bufs, gsem, ssem):
        wid = lax.axis_index("s") * nc + lax.axis_index("c")
        base = wid * rows_per_w
        head = look * chunk
        head_cp = pltpu.make_async_copy(
            idx_hbm.at[pl.ds(base, head)], idx_v.at[pl.ds(0, head)], gsem
        )
        tail_cp = pltpu.make_async_copy(
            idx_hbm.at[pl.ds(base + head, rows_per_w - head)],
            idx_v.at[pl.ds(head, rows_per_w - head)],
            ssem,
        )
        head_cp.start()
        tail_cp.start()
        head_cp.wait()

        def gather_cp(i, b):
            return pltpu.make_async_copy(
                table_hbm.at[idx_v.at[pl.ds(i * chunk, chunk)]], bufs.at[b], gsem
            )

        def scatter_cp(i, b):
            return pltpu.make_async_copy(
                bufs.at[b], out_hbm.at[pl.ds(base + i * chunk, chunk)], ssem
            )

        for j in range(look):
            gather_cp(j, j).start()
        tail_cp.wait()

        def body(i, carry):
            b = lax.rem(i, nbuf)
            gather_cp(i, b).wait()
            scatter_cp(i, b).start()
            k = i + look

            @pl.when(k < n_chunks)
            def _():
                bk = lax.rem(k, nbuf)

                @pl.when(k >= nbuf)
                def _():
                    scatter_cp(k - nbuf, bk).wait()

                gather_cp(k, bk).start()

            return carry

        lax.fori_loop(0, n_chunks, body, 0)

        for i in range(n_chunks - nbuf, n_chunks):
            scatter_cp(i, i % nbuf).wait()

    return gather_k


def kernel(input_ids, embed_weight):
    bsz, seq = input_ids.shape
    vocab, hidden = embed_weight.shape
    ids = input_ids.reshape(-1).astype(jnp.int32)
    flat = _build_gather(bsz * seq, hidden)(embed_weight, ids)
    text_embeds = flat.reshape(bsz, seq, hidden)
    position_ids = jnp.broadcast_to(jnp.arange(seq, dtype=jnp.int32), (bsz, seq))
    lb_loss = jnp.zeros((1,), dtype=text_embeds.dtype)
    return (text_embeds, position_ids, lb_loss)

# --- scband reference (transcript-rebuilt; emitter-appended) ---
"""Pipeline reference for scband-moe-embeddings-pp-47802986004940 (READ-ONLY COPY).

The authoritative reference and input builder live on the scoring server;
editing this copy changes nothing except your own understanding.
"""

import jax, jax.numpy as jnp
import numpy as np

VOCAB = 100000
HIDDEN = 1024
PAD_TOKEN_ID = 0
LEARNABLE_CUTOFF = 10000
B, S = 4, 4096


def setup_inputs(seed: int = 0) -> dict:
    key = jax.random.key(seed)
    k_ids, k_w = jax.random.split(key)
    input_ids = jax.random.randint(k_ids, (B, S), 0, VOCAB, dtype=jnp.int64 if jax.config.jax_enable_x64 else jnp.int32)
    embed_weight = jax.random.normal(k_w, (VOCAB, HIDDEN), dtype=jnp.float32) * 0.02
    # nn.Embedding zero-initializes the padding_idx row
    embed_weight = embed_weight.at[PAD_TOKEN_ID].set(0.0)
    return {"input_ids": input_ids, "embed_weight": embed_weight}


def reference(input_ids, embed_weight):
    bsz, seq_len = input_ids.shape
    # embedding lookup (gather)
    text_embeds = jnp.take(embed_weight, input_ids, axis=0)
    # position ids: arange expanded over batch
    position_ids = jnp.broadcast_to(jnp.arange(seq_len, dtype=jnp.int32), (bsz, seq_len))
    # load-balancing loss placeholder, cast to embeds dtype
    lb_loss = jnp.zeros((1,), dtype=text_embeds.dtype)
    return (text_embeds, position_ids, lb_loss)

if __name__ == "__main__":
    import jax
    _d = setup_inputs()
    print(jax.jit(kernel)(*tuple(_d.values())))

</pallas_src>

<mosaic_0001>
#map = affine_map<(d0, d1) -> (0, 0)>
#map1 = affine_map<(d0, d1) -> (0)>
module attributes {stable_mosaic.version = 14 : i64} {
  func.func @gather_k(%arg0: i32, %arg1: i32, %arg2: memref<100000x1024xf32, #tpu.memory_space<hbm>>, %arg3: memref<16384xi32, #tpu.memory_space<hbm>>, %arg4: memref<16384x1024xf32, #tpu.memory_space<hbm>>, %arg5: memref<512xi32, #tpu.memory_space<vmem>>, %arg6: memref<15x8x1024xf32, #tpu.memory_space<vmem>>, %arg7: memref<!tpu.dma_semaphore, #tpu.memory_space<semaphore_mem>>, %arg8: memref<!tpu.dma_semaphore, #tpu.memory_space<semaphore_mem>>) attributes {dimension_semantics = [#tpu.dimension_semantics<core_parallel>, #tpu.dimension_semantics<subcore_parallel>], iteration_bounds = array<i64: 2, 16>, scalar_prefetch = 0 : i64, scratch_operands = 4 : i64, tpu.core_type = #tpu.core_type<sc_vector_subcore>, window_params = [{transform_indices = #map}, {transform_indices = #map1}, {transform_indices = #map}]} {
    %mul3A = arith.constant 2 : i32
    %mul3A_0 = arith.muli %arg1, %mul3A : i32
    %add3A = arith.addi %mul3A_0, %arg0 : i32
    %mul3A_1 = arith.constant 512 : i32
    %mul3A_2 = arith.muli %add3A, %mul3A_1 : i32
    %add3A_3 = arith.constant 88 : i32
    %add3A_4 = arith.addi %mul3A_2, %add3A_3 : i32
    %dma_start3A = arith.constant 0 : i32
    %dma_start3A_5 = tpu.memref_slice %arg5[%dma_start3A] : memref<512xi32, #tpu.memory_space<vmem>> -> memref<88xi32, #tpu.memory_space<vmem>>
    %dma_start3A_6 = tpu.memref_slice %arg3[%mul3A_2] : memref<16384xi32, #tpu.memory_space<hbm>> -> memref<88xi32, #tpu.memory_space<hbm>>
    %dma_start3A_7 = arith.constant 0 : i32
    %dma_start3A_8 = tpu.memref_slice %arg5[%dma_start3A_7] : memref<512xi32, #tpu.memory_space<vmem>> -> memref<88xi32, #tpu.memory_space<vmem>>
    %dma_start3A_9 = tpu.memref_slice %arg3[%mul3A_2] : memref<16384xi32, #tpu.memory_space<hbm>> -> memref<88xi32, #tpu.memory_space<hbm>>
    tpu.enqueue_dma source(%dma_start3A_9 : memref<88xi32, #tpu.memory_space<hbm>>) target(%dma_start3A_8 : memref<88xi32, #tpu.memory_space<vmem>>) target_semaphore(%arg7 : memref<!tpu.dma_semaphore, #tpu.memory_space<semaphore_mem>>)
    %dma_start3A_10 = arith.constant 88 : i32
    %dma_start3A_11 = tpu.memref_slice %arg5[%dma_start3A_10] : memref<512xi32, #tpu.memory_space<vmem>> -> memref<424xi32, #tpu.memory_space<vmem>>
    %dma_start3A_12 = tpu.memref_slice %arg3[%add3A_4] : memref<16384xi32, #tpu.memory_space<hbm>> -> memref<424xi32, #tpu.memory_space<hbm>>
    %dma_start3A_13 = arith.constant 88 : i32
    %dma_start3A_14 = tpu.memref_slice %arg5[%dma_start3A_13] : memref<512xi32, #tpu.memory_space<vmem>> -> memref<424xi32, #tpu.memory_space<vmem>>
    %dma_start3A_15 = tpu.memref_slice %arg3[%add3A_4] : memref<16384xi32, #tpu.memory_space<hbm>> -> memref<424xi32, #tpu.memory_space<hbm>>
    tpu.enqueue_dma source(%dma_start3A_15 : memref<424xi32, #tpu.memory_space<hbm>>) target(%dma_start3A_14 : memref<424xi32, #tpu.memory_space<vmem>>) target_semaphore(%arg8 : memref<!tpu.dma_semaphore, #tpu.memory_space<semaphore_mem>>)
    %dma_wait3A = arith.constant 0 : i32
    %dma_wait3A_16 = tpu.memref_slice %arg5[%dma_wait3A] : memref<512xi32, #tpu.memory_space<vmem>> -> memref<88xi32, #tpu.memory_space<vmem>>
    %dma_wait3A_17 = tpu.memref_slice %arg3[%mul3A_2] : memref<16384xi32, #tpu.memory_space<hbm>> -> memref<88xi32, #tpu.memory_space<hbm>>
    %dma_wait3A_18 = arith.constant 0 : i32
    %dma_wait3A_19 = tpu.memref_slice %arg5[%dma_wait3A_18] : memref<512xi32, #tpu.memory_space<vmem>> -> memref<88xi32, #tpu.memory_space<vmem>>
    %dma_wait3A_20 = tpu.memref_slice %arg3[%mul3A_2] : memref<16384xi32, #tpu.memory_space<hbm>> -> memref<88xi32, #tpu.memory_space<hbm>>
    tpu.wait_dma2 semaphore(%arg7 : memref<!tpu.dma_semaphore, #tpu.memory_space<semaphore_mem>>) src(%dma_wait3A_20 : memref<88xi32, #tpu.memory_space<hbm>>) dst(%dma_wait3A_19 : memref<88xi32, #tpu.memory_space<vmem>>)
    %dma_start3A_21 = arith.constant 0 : i32
    %dma_start3A_22 = arith.constant 0 : i32
    %dma_start3A_23 = arith.constant 0 : i32
    %dma_start3A_24 = tpu.memref_slice %arg6[%dma_start3A_21, %dma_start3A_22, %dma_start3A_23] : memref<15x8x1024xf32, #tpu.memory_space<vmem>> -> memref<1x8x1024xf32, #tpu.memory_space<vmem>>
    %dma_start3A_25 = tpu.memref_squeeze %dma_start3A_24 : memref<1x8x1024xf32, #tpu.memory_space<vmem>> -> memref<8x1024xf32, #tpu.memory_space<vmem>>
    %dma_start3A_26 = arith.constant 0 : i32
    %dma_start3A_27 = tpu.memref_slice %arg5[%dma_start3A_26] : memref<512xi32, #tpu.memory_space<vmem>> -> memref<8xi32, #tpu.memory_space<vmem>>
    %dma_start3A_28 = arith.constant 0 : i32
    %dma_start3A_29 = arith.constant 0 : i32
    %dma_start3A_30 = tpu.memref_slice %arg2[%dma_start3A_28, %dma_start3A_29] : memref<100000x1024xf32, #tpu.memory_space<hbm>> -> memref<100000x1024xf32, #tpu.memory_space<hbm>>
    tpu.enqueue_indirect_dma source(%dma_start3A_30 : memref<100000x1024xf32, #tpu.memory_space<hbm>>) target(%dma_start3A_25 : memref<8x1024xf32, #tpu.memory_space<vmem>>) offsets(%dma_start3A_27 : memref<8xi32, #tpu.memory_space<vmem>>) semaphore(%arg7 : memref<!tpu.dma_semaphore, #tpu.memory_space<semaphore_mem>>)
    %dma_start3A_31 = arith.constant 1 : i32
    %dma_start3A_32 = arith.constant 0 : i32
    %dma_start3A_33 = arith.constant 0 : i32
    %dma_start3A_34 = tpu.memref_slice %arg6[%dma_start3A_31, %dma_start3A_32, %dma_start3A_33] : memref<15x8x1024xf32, #tpu.memory_space<vmem>> -> memref<1x8x1024xf32, #tpu.memory_space<vmem>>
    %dma_start3A_35 = tpu.memref_squeeze %dma_start3A_34 : memref<1x8x1024xf32, #tpu.memory_space<vmem>> -> memref<8x1024xf32, #tpu.memory_space<vmem>>
    %dma_start3A_36 = arith.constant 8 : i32
    %dma_start3A_37 = tpu.memref_slice %arg5[%dma_start3A_36] : memref<512xi32, #tpu.memory_space<vmem>> -> memref<8xi32, #tpu.memory_space<vmem>>
    %dma_start3A_38 = arith.constant 0 : i32
    %dma_start3A_39 = arith.constant 0 : i32
    %dma_start3A_40 = tpu.memref_slice %arg2[%dma_start3A_38, %dma_start3A_39] : memref<100000x1024xf32, #tpu.memory_space<hbm>> -> memref<100000x1024xf32, #tpu.memory_space<hbm>>
    tpu.enqueue_indirect_dma source(%dma_start3A_40 : memref<100000x1024xf32, #tpu.memory_space<hbm>>) target(%dma_start3A_35 : memref<8x1024xf32, #tpu.memory_space<vmem>>) offsets(%dma_start3A_37 : memref<8xi32, #tpu.memory_space<vmem>>) semaphore(%arg7 : memref<!tpu.dma_semaphore, #tpu.memory_space<semaphore_mem>>)
    %dma_start3A_41 = arith.constant 2 : i32
    %dma_start3A_42 = arith.constant 0 : i32
    %dma_start3A_43 = arith.constant 0 : i32
    %dma_start3A_44 = tpu.memref_slice %arg6[%dma_start3A_41, %dma_start3A_42, %dma_start3A_43] : memref<15x8x1024xf32, #tpu.memory_space<vmem>> -> memref<1x8x1024xf32, #tpu.memory_space<vmem>>
    %dma_start3A_45 = tpu.memref_squeeze %dma_start3A_44 : memref<1x8x1024xf32, #tpu.memory_space<vmem>> -> memref<8x1024xf32, #tpu.memory_space<vmem>>
    %dma_start3A_46 = arith.constant 16 : i32
    %dma_start3A_47 = tpu.memref_slice %arg5[%dma_start3A_46] : memref<512xi32, #tpu.memory_space<vmem>> -> memref<8xi32, #tpu.memory_space<vmem>>
    %dma_start3A_48 = arith.constant 0 : i32
    %dma_start3A_49 = arith.constant 0 : i32
    %dma_start3A_50 = tpu.memref_slice %arg2[%dma_start3A_48, %dma_start3A_49] : memref<100000x1024xf32, #tpu.memory_space<hbm>> -> memref<100000x1024xf32, #tpu.memory_space<hbm>>
    tpu.enqueue_indirect_dma source(%dma_start3A_50 : memref<100000x1024xf32, #tpu.memory_space<hbm>>) target(%dma_start3A_45 : memref<8x1024xf32, #tpu.memory_space<vmem>>) offsets(%dma_start3A_47 : memref<8xi32, #tpu.memory_space<vmem>>) semaphore(%arg7 : memref<!tpu.dma_semaphore, #tpu.memory_space<semaphore_mem>>)
    %dma_start3A_51 = arith.constant 3 : i32
    %dma_start3A_52 = arith.constant 0 : i32
    %dma_start3A_53 = arith.constant 0 : i32
    %dma_start3A_54 = tpu.memref_slice %arg6[%dma_start3A_51, %dma_start3A_52, %dma_start3A_53] : memref<15x8x1024xf32, #tpu.memory_space<vmem>> -> memref<1x8x1024xf32, #tpu.memory_space<vmem>>
    %dma_start3A_55 = tpu.memref_squeeze %dma_start3A_54 : memref<1x8x1024xf32, #tpu.memory_space<vmem>> -> memref<8x1024xf32, #tpu.memory_space<vmem>>
    %dma_start3A_56 = arith.constant 24 : i32
    %dma_start3A_57 = tpu.memref_slice %arg5[%dma_start3A_56] : memref<512xi32, #tpu.memory_space<vmem>> -> memref<8xi32, #tpu.memory_space<vmem>>
    %dma_start3A_58 = arith.constant 0 : i32
    %dma_start3A_59 = arith.constant 0 : i32
    %dma_start3A_60 = tpu.memref_slice %arg2[%dma_start3A_58, %dma_start3A_59] : memref<100000x1024xf32, #tpu.memory_space<hbm>> -> memref<100000x1024xf32, #tpu.memory_space<hbm>>
    tpu.enqueue_indirect_dma source(%dma_start3A_60 : memref<100000x1024xf32, #tpu.memory_space<hbm>>) target(%dma_start3A_55 : memref<8x1024xf32, #tpu.memory_space<vmem>>) offsets(%dma_start3A_57 : memref<8xi32, #tpu.memory_space<vmem>>) semaphore(%arg7 : memref<!tpu.dma_semaphore, #tpu.memory_space<semaphore_mem>>)
    %dma_start3A_61 = arith.constant 4 : i32
    %dma_start3A_62 = arith.constant 0 : i32
    %dma_start3A_63 = arith.constant 0 : i32
    %dma_start3A_64 = tpu.memref_slice %arg6[%dma_start3A_61, %dma_start3A_62, %dma_start3A_63] : memref<15x8x1024xf32, #tpu.memory_space<vmem>> -> memref<1x8x1024xf32, #tpu.memory_space<vmem>>
    %dma_start3A_65 = tpu.memref_squeeze %dma_start3A_64 : memref<1x8x1024xf32, #tpu.memory_space<vmem>> -> memref<8x1024xf32, #tpu.memory_space<vmem>>
    %dma_start3A_66 = arith.constant 32 : i32
    %dma_start3A_67 = tpu.memref_slice %arg5[%dma_start3A_66] : memref<512xi32, #tpu.memory_space<vmem>> -> memref<8xi32, #tpu.memory_space<vmem>>
    %dma_start3A_68 = arith.constant 0 : i32
    %dma_start3A_69 = arith.constant 0 : i32
    %dma_start3A_70 = tpu.memref_slice %arg2[%dma_start3A_68, %dma_start3A_69] : memref<100000x1024xf32, #tpu.memory_space<hbm>> -> memref<100000x1024xf32, #tpu.memory_space<hbm>>
    tpu.enqueue_indirect_dma source(%dma_start3A_70 : memref<100000x1024xf32, #tpu.memory_space<hbm>>) target(%dma_start3A_65 : memref<8x1024xf32, #tpu.memory_space<vmem>>) offsets(%dma_start3A_67 : memref<8xi32, #tpu.memory_space<vmem>>) semaphore(%arg7 : memref<!tpu.dma_semaphore, #tpu.memory_space<semaphore_mem>>)
    %dma_start3A_71 = arith.constant 5 : i32
    %dma_start3A_72 = arith.constant 0 : i32
    %dma_start3A_73 = arith.constant 0 : i32
    %dma_start3A_74 = tpu.memref_slice %arg6[%dma_start3A_71, %dma_start3A_72, %dma_start3A_73] : memref<15x8x1024xf32, #tpu.memory_space<vmem>> -> memref<1x8x1024xf32, #tpu.memory_space<vmem>>
    %dma_start3A_75 = tpu.memref_squeeze %dma_start3A_74 : memref<1x8x1024xf32, #tpu.memory_space<vmem>> -> memref<8x1024xf32, #tpu.memory_space<vmem>>
    %dma_start3A_76 = arith.constant 40 : i32
    %dma_start3A_77 = tpu.memref_slice %arg5[%dma_start3A_76] : memref<512xi32, #tpu.memory_space<vmem>> -> memref<8xi32, #tpu.memory_space<vmem>>
    %dma_start3A_78 = arith.constant 0 : i32
    %dma_start3A_79 = arith.constant 0 : i32
    %dma_start3A_80 = tpu.memref_slice %arg2[%dma_start3A_78, %dma_start3A_79] : memref<100000x1024xf32, #tpu.memory_space<hbm>> -> memref<100000x1024xf32, #tpu.memory_space<hbm>>
    tpu.enqueue_indirect_dma source(%dma_start3A_80 : memref<100000x1024xf32, #tpu.memory_space<hbm>>) target(%dma_start3A_75 : memref<8x1024xf32, #tpu.memory_space<vmem>>) offsets(%dma_start3A_77 : memref<8xi32, #tpu.memory_space<vmem>>) semaphore(%arg7 : memref<!tpu.dma_semaphore, #tpu.memory_space<semaphore_mem>>)
    %dma_start3A_81 = arith.constant 6 : i32
    %dma_start3A_82 = arith.constant 0 : i32
    %dma_start3A_83 = arith.constant 0 : i32
    %dma_start3A_84 = tpu.memref_slice %arg6[%dma_start3A_81, %dma_start3A_82, %dma_start3A_83] : memref<15x8x1024xf32, #tpu.memory_space<vmem>> -> memref<1x8x1024xf32, #tpu.memory_space<vmem>>
    %dma_start3A_85 = tpu.memref_squeeze %dma_start3A_84 : memref<1x8x1024xf32, #tpu.memory_space<vmem>> -> memref<8x1024xf32, #tpu.memory_space<vmem>>
    %dma_start3A_86 = arith.constant 48 : i32
    %dma_start3A_87 = tpu.memref_slice %arg5[%dma_start3A_86] : memref<512xi32, #tpu.memory_space<vmem>> -> memref<8xi32, #tpu.memory_space<vmem>>
    %dma_start3A_88 = arith.constant 0 : i32
    %dma_start3A_89 = arith.constant 0 : i32
    %dma_start3A_90 = tpu.memref_slice %arg2[%dma_start3A_88, %dma_start3A_89] : memref<100000x1024xf32, #tpu.memory_space<hbm>> -> memref<100000x1024xf32, #tpu.memory_space<hbm>>
    tpu.enqueue_indirect_dma source(%dma_start3A_90 : memref<100000x1024xf32, #tpu.memory_space<hbm>>) target(%dma_start3A_85 : memref<8x1024xf32, #tpu.memory_space<vmem>>) offsets(%dma_start3A_87 : memref<8xi32, #tpu.memory_space<vmem>>) semaphore(%arg7 : memref<!tpu.dma_semaphore, #tpu.memory_space<semaphore_mem>>)
    %dma_start3A_91 = arith.constant 7 : i32
    %dma_start3A_92 = arith.constant 0 : i32
    %dma_start3A_93 = arith.constant 0 : i32
    %dma_start3A_94 = tpu.memref_slice %arg6[%dma_start3A_91, %dma_start3A_92, %dma_start3A_93] : memref<15x8x1024xf32, #tpu.memory_space<vmem>> -> memref<1x8x1024xf32, #tpu.memory_space<vmem>>
    %dma_start3A_95 = tpu.memref_squeeze %dma_start3A_94 : memref<1x8x1024xf32, #tpu.memory_space<vmem>> -> memref<8x1024xf32, #tpu.memory_space<vmem>>
    %dma_start3A_96 = arith.constant 56 : i32
    %dma_start3A_97 = tpu.memref_slice %arg5[%dma_start3A_96] : memref<512xi32, #tpu.memory_space<vmem>> -> memref<8xi32, #tpu.memory_space<vmem>>
    %dma_start3A_98 = arith.constant 0 : i32
    %dma_start3A_99 = arith.constant 0 : i32
    %dma_start3A_100 = tpu.memref_slice %arg2[%dma_start3A_98, %dma_start3A_99] : memref<100000x1024xf32, #tpu.memory_space<hbm>> -> memref<100000x1024xf32, #tpu.memory_space<hbm>>
    tpu.enqueue_indirect_dma source(%dma_start3A_100 : memref<100000x1024xf32, #tpu.memory_space<hbm>>) target(%dma_start3A_95 : memref<8x1024xf32, #tpu.memory_space<vmem>>) offsets(%dma_start3A_97 : memref<8xi32, #tpu.memory_space<vmem>>) semaphore(%arg7 : memref<!tpu.dma_semaphore, #tpu.memory_space<semaphore_mem>>)
    %dma_start3A_101 = arith.constant 8 : i32
    %dma_start3A_102 = arith.constant 0 : i32
    %dma_start3A_103 = arith.constant 0 : i32
    %dma_start3A_104 = tpu.memref_slice %arg6[%dma_start3A_101, %dma_start3A_102, %dma_start3A_103] : memref<15x8x1024xf32, #tpu.memory_space<vmem>> -> memref<1x8x1024xf32, #tpu.memory_space<vmem>>
    %dma_start3A_105 = tpu.memref_squeeze %dma_start3A_104 : memref<1x8x1024xf32, #tpu.memory_space<vmem>> -> memref<8x1024xf32, #tpu.memory_space<vmem>>
    %dma_start3A_106 = arith.constant 64 : i32
    %dma_start3A_107 = tpu.memref_slice %arg5[%dma_start3A_106] : memref<512xi32, #tpu.memory_space<vmem>> -> memref<8xi32, #tpu.memory_space<vmem>>
    %dma_start3A_108 = arith.constant 0 : i32
    %dma_start3A_109 = arith.constant 0 : i32
    %dma_start3A_110 = tpu.memref_slice %arg2[%dma_start3A_108, %dma_start3A_109] : memref<100000x1024xf32, #tpu.memory_space<hbm>> -> memref<100000x1024xf32, #tpu.memory_space<hbm>>
    tpu.enqueue_indirect_dma source(%dma_start3A_110 : memref<100000x1024xf32, #tpu.memory_space<hbm>>) target(%dma_start3A_105 : memref<8x1024xf32, #tpu.memory_space<vmem>>) offsets(%dma_start3A_107 : memref<8xi32, #tpu.memory_space<vmem>>) semaphore(%arg7 : memref<!tpu.dma_semaphore, #tpu.memory_space<semaphore_mem>>)
    %dma_start3A_111 = arith.constant 9 : i32
    %dma_start3A_112 = arith.constant 0 : i32
    %dma_start3A_113 = arith.constant 0 : i32
    %dma_start3A_114 = tpu.memref_slice %arg6[%dma_start3A_111, %dma_start3A_112, %dma_start3A_113] : memref<15x8x1024xf32, #tpu.memory_space<vmem>> -> memref<1x8x1024xf32, #tpu.memory_space<vmem>>
    %dma_start3A_115 = tpu.memref_squeeze %dma_start3A_114 : memref<1x8x1024xf32, #tpu.memory_space<vmem>> -> memref<8x1024xf32, #tpu.memory_space<vmem>>
    %dma_start3A_116 = arith.constant 72 : i32
    %dma_start3A_117 = tpu.memref_slice %arg5[%dma_start3A_116] : memref<512xi32, #tpu.memory_space<vmem>> -> memref<8xi32, #tpu.memory_space<vmem>>
    %dma_start3A_118 = arith.constant 0 : i32
    %dma_start3A_119 = arith.constant 0 : i32
    %dma_start3A_120 = tpu.memref_slice %arg2[%dma_start3A_118, %dma_start3A_119] : memref<100000x1024xf32, #tpu.memory_space<hbm>> -> memref<100000x1024xf32, #tpu.memory_space<hbm>>
    tpu.enqueue_indirect_dma source(%dma_start3A_120 : memref<100000x1024xf32, #tpu.memory_space<hbm>>) target(%dma_start3A_115 : memref<8x1024xf32, #tpu.memory_space<vmem>>) offsets(%dma_start3A_117 : memref<8xi32, #tpu.memory_space<vmem>>) semaphore(%arg7 : memref<!tpu.dma_semaphore, #tpu.memory_space<semaphore_mem>>)
    %dma_start3A_121 = arith.constant 10 : i32
    %dma_start3A_122 = arith.constant 0 : i32
    %dma_start3A_123 = arith.constant 0 : i32
    %dma_start3A_124 = tpu.memref_slice %arg6[%dma_start3A_121, %dma_start3A_122, %dma_start3A_123] : memref<15x8x1024xf32, #tpu.memory_space<vmem>> -> memref<1x8x1024xf32, #tpu.memory_space<vmem>>
    %dma_start3A_125 = tpu.memref_squeeze %dma_start3A_124 : memref<1x8x1024xf32, #tpu.memory_space<vmem>> -> memref<8x1024xf32, #tpu.memory_space<vmem>>
    %dma_start3A_126 = arith.constant 80 : i32
    %dma_start3A_127 = tpu.memref_slice %arg5[%dma_start3A_126] : memref<512xi32, #tpu.memory_space<vmem>> -> memref<8xi32, #tpu.memory_space<vmem>>
    %dma_start3A_128 = arith.constant 0 : i32
    %dma_start3A_129 = arith.constant 0 : i32
    %dma_start3A_130 = tpu.memref_slice %arg2[%dma_start3A_128, %dma_start3A_129] : memref<100000x1024xf32, #tpu.memory_space<hbm>> -> memref<100000x1024xf32, #tpu.memory_space<hbm>>
    tpu.enqueue_indirect_dma source(%dma_start3A_130 : memref<100000x1024xf32, #tpu.memory_space<hbm>>) target(%dma_start3A_125 : memref<8x1024xf32, #tpu.memory_space<vmem>>) offsets(%dma_start3A_127 : memref<8xi32, #tpu.memory_space<vmem>>) semaphore(%arg7 : memref<!tpu.dma_semaphore, #tpu.memory_space<semaphore_mem>>)
    %dma_wait3A_131 = arith.constant 88 : i32
    %dma_wait3A_132 = tpu.memref_slice %arg5[%dma_wait3A_131] : memref<512xi32, #tpu.memory_space<vmem>> -> memref<424xi32, #tpu.memory_space<vmem>>
    %dma_wait3A_133 = tpu.memref_slice %arg3[%add3A_4] : memref<16384xi32, #tpu.memory_space<hbm>> -> memref<424xi32, #tpu.memory_space<hbm>>
    %dma_wait3A_134 = arith.constant 88 : i32
    %dma_wait3A_135 = tpu.memref_slice %arg5[%dma_wait3A_134] : memref<512xi32, #tpu.memory_space<vmem>> -> memref<424xi32, #tpu.memory_space<vmem>>
    %dma_wait3A_136 = tpu.memref_slice %arg3[%add3A_4] : memref<16384xi32, #tpu.memory_space<hbm>> -> memref<424xi32, #tpu.memory_space<hbm>>
    tpu.wait_dma2 semaphore(%arg8 : memref<!tpu.dma_semaphore, #tpu.memory_space<semaphore_mem>>) src(%dma_wait3A_136 : memref<424xi32, #tpu.memory_space<hbm>>) dst(%dma_wait3A_135 : memref<424xi32, #tpu.memory_space<vmem>>)
    %scan3A = arith.constant 0 : i32
    %scan3A_137 = arith.constant 0 : i32
    %scan3A_138 = arith.constant 64 : i32
    %scan3A_139 = arith.addi %scan3A_137, %scan3A_138 : i32
    %scan3A_140 = arith.constant 1 : i32
    scf.for %scan3A_367 = %scan3A_137 to %scan3A_139 step %scan3A_140  : i32 {
      %rem3A = arith.constant 15 : i32
      %rem3A_368 = arith.remsi %scan3A_367, %rem3A : i32
      %mul3A_369 = arith.constant 8 : i32
      %mul3A_370 = arith.muli %scan3A_367, %mul3A_369 : i32
      %dma_wait3A_371 = arith.constant 0 : i32
      %dma_wait3A_372 = arith.constant 0 : i32
      %dma_wait3A_373 = tpu.memref_slice %arg6[%rem3A_368, %dma_wait3A_371, %dma_wait3A_372] : memref<15x8x1024xf32, #tpu.memory_space<vmem>> -> memref<1x8x1024xf32, #tpu.memory_space<vmem>>
      %dma_wait3A_374 = tpu.memref_squeeze %dma_wait3A_373 : memref<1x8x1024xf32, #tpu.memory_space<vmem>> -> memref<8x1024xf32, #tpu.memory_space<vmem>>
      %dma_wait3A_375 = tpu.memref_slice %arg5[%mul3A_370] : memref<512xi32, #tpu.memory_space<vmem>> -> memref<8xi32, #tpu.memory_space<vmem>>
      %dma_wait3A_376 = arith.constant 0 : i32
      %dma_wait3A_377 = arith.constant 0 : i32
      %dma_wait3A_378 = tpu.memref_slice %arg2[%dma_wait3A_376, %dma_wait3A_377] : memref<100000x1024xf32, #tpu.memory_space<hbm>> -> memref<100000x1024xf32, #tpu.memory_space<hbm>>
      tpu.wait_indirect_dma semaphore(%arg7 : memref<!tpu.dma_semaphore, #tpu.memory_space<semaphore_mem>>) src(%dma_wait3A_378 : memref<100000x1024xf32, #tpu.memory_space<hbm>>) dst(%dma_wait3A_374 : memref<8x1024xf32, #tpu.memory_space<vmem>>)
      %mul3A_379 = arith.constant 8 : i32
      %mul3A_380 = arith.muli %scan3A_367, %mul3A_379 : i32
      %add3A_381 = arith.addi %mul3A_2, %mul3A_380 : i32
      %dma_start3A_382 = arith.constant 0 : i32
      %dma_start3A_383 = arith.constant 0 : i32
      %dma_start3A_384 = tpu.memref_slice %arg6[%rem3A_368, %dma_start3A_382, %dma_start3A_383] : memref<15x8x1024xf32, #tpu.memory_space<vmem>> -> memref<1x8x1024xf32, #tpu.memory_space<vmem>>
      %dma_start3A_385 = tpu.memref_squeeze %dma_start3A_384 : memref<1x8x1024xf32, #tpu.memory_space<vmem>> -> memref<8x1024xf32, #tpu.memory_space<vmem>>
      %dma_start3A_386 = arith.constant 0 : i32
      %dma_start3A_387 = tpu.memref_slice %arg4[%add3A_381, %dma_start3A_386] : memref<16384x1024xf32, #tpu.memory_space<hbm>> -> memref<8x1024xf32, #tpu.memory_space<hbm>>
      %dma_start3A_388 = arith.constant 0 : i32
      %dma_start3A_389 = tpu.memref_slice %arg4[%add3A_381, %dma_start3A_388] : memref<16384x1024xf32, #tpu.memory_space<hbm>> -> memref<8x1024xf32, #tpu.memory_space<hbm>>
      %dma_start3A_390 = arith.constant 0 : i32
      %dma_start3A_391 = arith.constant 0 : i32
      %dma_start3A_392 = tpu.memref_slice %arg6[%rem3A_368, %dma_start3A_390, %dma_start3A_391] : memref<15x8x1024xf32, #tpu.memory_space<vmem>> -> memref<1x8x1024xf32, #tpu.memory_space<vmem>>
      %dma_start3A_393 = tpu.memref_squeeze %dma_start3A_392 : memref<1x8x1024xf32, #tpu.memory_space<vmem>> -> memref<8x1024xf32, #tpu.memory_space<vmem>>
      tpu.enqueue_dma source(%dma_start3A_393 : memref<8x1024xf32, #tpu.memory_space<vmem>>) target(%dma_start3A_389 : memref<8x1024xf32, #tpu.memory_space<hbm>>) target_semaphore(%arg8 : memref<!tpu.dma_semaphore, #tpu.memory_space<semaphore_mem>>)
      %add3A_394 = arith.constant 11 : i32
      %add3A_395 = arith.addi %scan3A_367, %add3A_394 : i32
      %lt3A = arith.constant 64 : i32
      %lt3A_396 = arith.cmpi slt, %add3A_395, %lt3A : i32
      %convert_element_type3A = arith.extui %lt3A_396 : i1 to i32
      %cond3A = arith.constant 0 : i32
      %cond3A_397 = arith.cmpi ne, %convert_element_type3A, %cond3A : i32
      scf.if %cond3A_397 {
        %rem3A_398 = arith.constant 15 : i32
        %rem3A_399 = arith.remsi %add3A_395, %rem3A_398 : i32
        %ge3A = arith.constant 15 : i32
        %ge3A_400 = arith.cmpi sge, %add3A_395, %ge3A : i32
        %convert_element_type3A_401 = arith.extui %ge3A_400 : i1 to i32
        %cond3A_402 = arith.constant 0 : i32
        %cond3A_403 = arith.cmpi ne, %convert_element_type3A_401, %cond3A_402 : i32
        scf.if %cond3A_403 {
          %sub3A = arith.constant 15 : i32
          %sub3A_414 = arith.subi %add3A_395, %sub3A : i32
          %mul3A_415 = arith.constant 8 : i32
          %mul3A_416 = arith.muli %sub3A_414, %mul3A_415 : i32
          %add3A_417 = arith.addi %mul3A_2, %mul3A_416 : i32
          %dma_wait3A_418 = arith.constant 0 : i32
          %dma_wait3A_419 = arith.constant 0 : i32
          %dma_wait3A_420 = tpu.memref_slice %arg6[%rem3A_399, %dma_wait3A_418, %dma_wait3A_419] : memref<15x8x1024xf32, #tpu.memory_space<vmem>> -> memref<1x8x1024xf32, #tpu.memory_space<vmem>>
          %dma_wait3A_421 = tpu.memref_squeeze %dma_wait3A_420 : memref<1x8x1024xf32, #tpu.memory_space<vmem>> -> memref<8x1024xf32, #tpu.memory_space<vmem>>
          %dma_wait3A_422 = arith.constant 0 : i32
          %dma_wait3A_423 = tpu.memref_slice %arg4[%add3A_417, %dma_wait3A_422] : memref<16384x1024xf32, #tpu.memory_space<hbm>> -> memref<8x1024xf32, #tpu.memory_space<hbm>>
          %dma_wait3A_424 = arith.constant 0 : i32
          %dma_wait3A_425 = tpu.memref_slice %arg4[%add3A_417, %dma_wait3A_424] : memref<16384x1024xf32, #tpu.memory_space<hbm>> -> memref<8x1024xf32, #tpu.memory_space<hbm>>
          %dma_wait3A_426 = arith.constant 0 : i32
          %dma_wait3A_427 = arith.constant 0 : i32
          %dma_wait3A_428 = tpu.memref_slice %arg6[%rem3A_399, %dma_wait3A_426, %dma_wait3A_427] : memref<15x8x1024xf32, #tpu.memory_space<vmem>> -> memref<1x8x1024xf32, #tpu.memory_space<vmem>>
          %dma_wait3A_429 = tpu.memref_squeeze %dma_wait3A_428 : memref<1x8x1024xf32, #tpu.memory_space<vmem>> -> memref<8x1024xf32, #tpu.memory_space<vmem>>
          tpu.wait_dma2 semaphore(%arg8 : memref<!tpu.dma_semaphore, #tpu.memory_space<semaphore_mem>>) src(%dma_wait3A_429 : memref<8x1024xf32, #tpu.memory_space<vmem>>) dst(%dma_wait3A_425 : memref<8x1024xf32, #tpu.memory_space<hbm>>)
        } else {
        }
        %mul3A_404 = arith.constant 8 : i32
        %mul3A_405 = arith.muli %add3A_395, %mul3A_404 : i32
        %dma_start3A_406 = arith.constant 0 : i32
        %dma_start3A_407 = arith.constant 0 : i32
        %dma_start3A_408 = tpu.memref_slice %arg6[%rem3A_399, %dma_start3A_406, %dma_start3A_407] : memref<15x8x1024xf32, #tpu.memory_space<vmem>> -> memref<1x8x1024xf32, #tpu.memory_space<vmem>>
        %dma_start3A_409 = tpu.memref_squeeze %dma_start3A_408 : memref<1x8x1024xf32, #tpu.memory_space<vmem>> -> memref<8x1024xf32, #tpu.memory_space<vmem>>
        %dma_start3A_410 = tpu.memref_slice %arg5[%mul3A_405] : memref<512xi32, #tpu.memory_space<vmem>> -> memref<8xi32, #tpu.memory_space<vmem>>
        %dma_start3A_411 = arith.constant 0 : i32
        %dma_start3A_412 = arith.constant 0 : i32
        %dma_start3A_413 = tpu.memref_slice %arg2[%dma_start3A_411, %dma_start3A_412] : memref<100000x1024xf32, #tpu.memory_space<hbm>> -> memref<100000x1024xf32, #tpu.memory_space<hbm>>
        tpu.enqueue_indirect_dma source(%dma_start3A_413 : memref<100000x1024xf32, #tpu.memory_space<hbm>>) target(%dma_start3A_409 : memref<8x1024xf32, #tpu.memory_space<vmem>>) offsets(%dma_start3A_410 : memref<8xi32, #tpu.memory_space<vmem>>) semaphore(%arg7 : memref<!tpu.dma_semaphore, #tpu.memory_space<semaphore_mem>>)
      } else {
      }
    }
    %scan3A_141 = arith.constant 64 : i32
    %add3A_142 = arith.constant 392 : i32
    %add3A_143 = arith.addi %mul3A_2, %add3A_142 : i32
    %dma_wait3A_144 = arith.constant 4 : i32
    %dma_wait3A_145 = arith.constant 0 : i32
    %dma_wait3A_146 = arith.constant 0 : i32
    %dma_wait3A_147 = tpu.memref_slice %arg6[%dma_wait3A_144, %dma_wait3A_145, %dma_wait3A_146] : memref<15x8x1024xf32, #tpu.memory_space<vmem>> -> memref<1x8x1024xf32, #tpu.memory_space<vmem>>
    %dma_wait3A_148 = tpu.memref_squeeze %dma_wait3A_147 : memref<1x8x1024xf32, #tpu.memory_space<vmem>> -> memref<8x1024xf32, #tpu.memory_space<vmem>>
    %dma_wait3A_149 = arith.constant 0 : i32
    %dma_wait3A_150 = tpu.memref_slice %arg4[%add3A_143, %dma_wait3A_149] : memref<16384x1024xf32, #tpu.memory_space<hbm>> -> memref<8x1024xf32, #tpu.memory_space<hbm>>
    %dma_wait3A_151 = arith.constant 0 : i32
    %dma_wait3A_152 = tpu.memref_slice %arg4[%add3A_143, %dma_wait3A_151] : memref<16384x1024xf32, #tpu.memory_space<hbm>> -> memref<8x1024xf32, #tpu.memory_space<hbm>>
    %dma_wait3A_153 = arith.constant 0 : i32
    %dma_wait3A_154 = arith.constant 0 : i32
    %dma_wait3A_155 = tpu.memref_slice %arg6[%dma_wait3A_144, %dma_wait3A_153, %dma_wait3A_154] : memref<15x8x1024xf32, #tpu.memory_space<vmem>> -> memref<1x8x1024xf32, #tpu.memory_space<vmem>>
    %dma_wait3A_156 = tpu.memref_squeeze %dma_wait3A_155 : memref<1x8x1024xf32, #tpu.memory_space<vmem>> -> memref<8x1024xf32, #tpu.memory_space<vmem>>
    tpu.wait_dma2 semaphore(%arg8 : memref<!tpu.dma_semaphore, #tpu.memory_space<semaphore_mem>>) src(%dma_wait3A_156 : memref<8x1024xf32, #tpu.memory_space<vmem>>) dst(%dma_wait3A_152 : memref<8x1024xf32, #tpu.memory_space<hbm>>)
    %add3A_157 = arith.constant 400 : i32
    %add3A_158 = arith.addi %mul3A_2, %add3A_157 : i32
    %dma_wait3A_159 = arith.constant 5 : i32
    %dma_wait3A_160 = arith.constant 0 : i32
    %dma_wait3A_161 = arith.constant 0 : i32
    %dma_wait3A_162 = tpu.memref_slice %arg6[%dma_wait3A_159, %dma_wait3A_160, %dma_wait3A_161] : memref<15x8x1024xf32, #tpu.memory_space<vmem>> -> memref<1x8x1024xf32, #tpu.memory_space<vmem>>
    %dma_wait3A_163 = tpu.memref_squeeze %dma_wait3A_162 : memref<1x8x1024xf32, #tpu.memory_space<vmem>> -> memref<8x1024xf32, #tpu.memory_space<vmem>>
    %dma_wait3A_164 = arith.constant 0 : i32
    %dma_wait3A_165 = tpu.memref_slice %arg4[%add3A_158, %dma_wait3A_164] : memref<16384x1024xf32, #tpu.memory_space<hbm>> -> memref<8x1024xf32, #tpu.memory_space<hbm>>
    %dma_wait3A_166 = arith.constant 0 : i32
    %dma_wait3A_167 = tpu.memref_slice %arg4[%add3A_158, %dma_wait3A_166] : memref<16384x1024xf32, #tpu.memory_space<hbm>> -> memref<8x1024xf32, #tpu.memory_space<hbm>>
    %dma_wait3A_168 = arith.constant 0 : i32
    %dma_wait3A_169 = arith.constant 0 : i32
    %dma_wait3A_170 = tpu.memref_slice %arg6[%dma_wait3A_159, %dma_wait3A_168, %dma_wait3A_169] : memref<15x8x1024xf32, #tpu.memory_space<vmem>> -> memref<1x8x1024xf32, #tpu.memory_space<vmem>>
    %dma_wait3A_171 = tpu.memref_squeeze %dma_wait3A_170 : memref<1x8x1024xf32, #tpu.memory_space<vmem>> -> memref<8x1024xf32, #tpu.memory_space<vmem>>
    tpu.wait_dma2 semaphore(%arg8 : memref<!tpu.dma_semaphore, #tpu.memory_space<semaphore_mem>>) src(%dma_wait3A_171 : memref<8x1024xf32, #tpu.memory_space<vmem>>) dst(%dma_wait3A_167 : memref<8x1024xf32, #tpu.memory_space<hbm>>)
    %add3A_172 = arith.constant 408 : i32
    %add3A_173 = arith.addi %mul3A_2, %add3A_172 : i32
    %dma_wait3A_174 = arith.constant 6 : i32
    %dma_wait3A_175 = arith.constant 0 : i32
    %dma_wait3A_176 = arith.constant 0 : i32
    %dma_wait3A_177 = tpu.memref_slice %arg6[%dma_wait3A_174, %dma_wait3A_175, %dma_wait3A_176] : memref<15x8x1024xf32, #tpu.memory_space<vmem>> -> memref<1x8x1024xf32, #tpu.memory_space<vmem>>
    %dma_wait3A_178 = tpu.memref_squeeze %dma_wait3A_177 : memref<1x8x1024xf32, #tpu.memory_space<vmem>> -> memref<8x1024xf32, #tpu.memory_space<vmem>>
    %dma_wait3A_179 = arith.constant 0 : i32
    %dma_wait3A_180 = tpu.memref_slice %arg4[%add3A_173, %dma_wait3A_179] : memref<16384x1024xf32, #tpu.memory_space<hbm>> -> memref<8x1024xf32, #tpu.memory_space<hbm>>
    %dma_wait3A_181 = arith.constant 0 : i32
    %dma_wait3A_182 = tpu.memref_slice %arg4[%add3A_173, %dma_wait3A_181] : memref<16384x1024xf32, #tpu.memory_space<hbm>> -> memref<8x1024xf32, #tpu.memory_space<hbm>>
    %dma_wait3A_183 = arith.constant 0 : i32
    %dma_wait3A_184 = arith.constant 0 : i32
    %dma_wait3A_185 = tpu.memref_slice %arg6[%dma_wait3A_174, %dma_wait3A_183, %dma_wait3A_184] : memref<15x8x1024xf32, #tpu.memory_space<vmem>> -> memref<1x8x1024xf32, #tpu.memory_space<vmem>>
    %dma_wait3A_186 = tpu.memref_squeeze %dma_wait3A_185 : memref<1x8x1024xf32, #tpu.memory_space<vmem>> -> memref<8x1024xf32, #tpu.memory_space<vmem>>
    tpu.wait_dma2 semaphore(%arg8 : memref<!tpu.dma_semaphore, #tpu.memory_space<semaphore_mem>>) src(%dma_wait3A_186 : memref<8x1024xf32, #tpu.memory_space<vmem>>) dst(%dma_wait3A_182 : memref<8x1024xf32, #tpu.memory_space<hbm>>)
    %add3A_187 = arith.constant 416 : i32
    %add3A_188 = arith.addi %mul3A_2, %add3A_187 : i32
    %dma_wait3A_189 = arith.constant 7 : i32
    %dma_wait3A_190 = arith.constant 0 : i32
    %dma_wait3A_191 = arith.constant 0 : i32
    %dma_wait3A_192 = tpu.memref_slice %arg6[%dma_wait3A_189, %dma_wait3A_190, %dma_wait3A_191] : memref<15x8x1024xf32, #tpu.memory_space<vmem>> -> memref<1x8x1024xf32, #tpu.memory_space<vmem>>
    %dma_wait3A_193 = tpu.memref_squeeze %dma_wait3A_192 : memref<1x8x1024xf32, #tpu.memory_space<vmem>> -> memref<8x1024xf32, #tpu.memory_space<vmem>>
    %dma_wait3A_194 = arith.constant 0 : i32
    %dma_wait3A_195 = tpu.memref_slice %arg4[%add3A_188, %dma_wait3A_194] : memref<16384x1024xf32, #tpu.memory_space<hbm>> -> memref<8x1024xf32, #tpu.memory_space<hbm>>
    %dma_wait3A_196 = arith.constant 0 : i32
    %dma_wait3A_197 = tpu.memref_slice %arg4[%add3A_188, %dma_wait3A_196] : memref<16384x1024xf32, #tpu.memory_space<hbm>> -> memref<8x1024xf32, #tpu.memory_space<hbm>>
    %dma_wait3A_198 = arith.constant 0 : i32
    %dma_wait3A_199 = arith.constant 0 : i32
    %dma_wait3A_200 = tpu.memref_slice %arg6[%dma_wait3A_189, %dma_wait3A_198, %dma_wait3A_199] : memref<15x8x1024xf32, #tpu.memory_space<vmem>> -> memref<1x8x1024xf32, #tpu.memory_space<vmem>>
    %dma_wait3A_201 = tpu.memref_squeeze %dma_wait3A_200 : memref<1x8x1024xf32, #tpu.memory_space<vmem>> -> memref<8x1024xf32, #tpu.memory_space<vmem>>
    tpu.wait_dma2 semaphore(%arg8 : memref<!tpu.dma_semaphore, #tpu.memory_space<semaphore_mem>>) src(%dma_wait3A_201 : memref<8x1024xf32, #tpu.memory_space<vmem>>) dst(%dma_wait3A_197 : memref<8x1024xf32, #tpu.memory_space<hbm>>)
    %add3A_202 = arith.constant 424 : i32
    %add3A_203 = arith.addi %mul3A_2, %add3A_202 : i32
    %dma_wait3A_204 = arith.constant 8 : i32
    %dma_wait3A_205 = arith.constant 0 : i32
    %dma_wait3A_206 = arith.constant 0 : i32
    %dma_wait3A_207 = tpu.memref_slice %arg6[%dma_wait3A_204, %dma_wait3A_205, %dma_wait3A_206] : memref<15x8x1024xf32, #tpu.memory_space<vmem>> -> memref<1x8x1024xf32, #tpu.memory_space<vmem>>
    %dma_wait3A_208 = tpu.memref_squeeze %dma_wait3A_207 : memref<1x8x1024xf32, #tpu.memory_space<vmem>> -> memref<8x1024xf32, #tpu.memory_space<vmem>>
    %dma_wait3A_209 = arith.constant 0 : i32
    %dma_wait3A_210 = tpu.memref_slice %arg4[%add3A_203, %dma_wait3A_209] : memref<16384x1024xf32, #tpu.memory_space<hbm>> -> memref<8x1024xf32, #tpu.memory_space<hbm>>
    %dma_wait3A_211 = arith.constant 0 : i32
    %dma_wait3A_212 = tpu.memref_slice %arg4[%add3A_203, %dma_wait3A_211] : memref<16384x1024xf32, #tpu.memory_space<hbm>> -> memref<8x1024xf32, #tpu.memory_space<hbm>>
    %dma_wait3A_213 = arith.constant 0 : i32
    %dma_wait3A_214 = arith.constant 0 : i32
    %dma_wait3A_215 = tpu.memref_slice %arg6[%dma_wait3A_204, %dma_wait3A_213, %dma_wait3A_214] : memref<15x8x1024xf32, #tpu.memory_space<vmem>> -> memref<1x8x1024xf32, #tpu.memory_space<vmem>>
    %dma_wait3A_216 = tpu.memref_squeeze %dma_wait3A_215 : memref<1x8x1024xf32, #tpu.memory_space<vmem>> -> memref<8x1024xf32, #tpu.memory_space<vmem>>
    tpu.wait_dma2 semaphore(%arg8 : memref<!tpu.dma_semaphore, #tpu.memory_space<semaphore_mem>>) src(%dma_wait3A_216 : memref<8x1024xf32, #tpu.memory_space<vmem>>) dst(%dma_wait3A_212 : memref<8x1024xf32, #tpu.memory_space<hbm>>)
    %add3A_217 = arith.constant 432 : i32
    %add3A_218 = arith.addi %mul3A_2, %add3A_217 : i32
    %dma_wait3A_219 = arith.constant 9 : i32
    %dma_wait3A_220 = arith.constant 0 : i32
    %dma_wait3A_221 = arith.constant 0 : i32
    %dma_wait3A_222 = tpu.memref_slice %arg6[%dma_wait3A_219, %dma_wait3A_220, %dma_wait3A_221] : memref<15x8x1024xf32, #tpu.memory_space<vmem>> -> memref<1x8x1024xf32, #tpu.memory_space<vmem>>
    %dma_wait3A_223 = tpu.memref_squeeze %dma_wait3A_222 : memref<1x8x1024xf32, #tpu.memory_space<vmem>> -> memref<8x1024xf32, #tpu.memory_space<vmem>>
    %dma_wait3A_224 = arith.constant 0 : i32
    %dma_wait3A_225 = tpu.memref_slice %arg4[%add3A_218, %dma_wait3A_224] : memref<16384x1024xf32, #tpu.memory_space<hbm>> -> memref<8x1024xf32, #tpu.memory_space<hbm>>
    %dma_wait3A_226 = arith.constant 0 : i32
    %dma_wait3A_227 = tpu.memref_slice %arg4[%add3A_218, %dma_wait3A_226] : memref<16384x1024xf32, #tpu.memory_space<hbm>> -> memref<8x1024xf32, #tpu.memory_space<hbm>>
    %dma_wait3A_228 = arith.constant 0 : i32
    %dma_wait3A_229 = arith.constant 0 : i32
    %dma_wait3A_230 = tpu.memref_slice %arg6[%dma_wait3A_219, %dma_wait3A_228, %dma_wait3A_229] : memref<15x8x1024xf32, #tpu.memory_space<vmem>> -> memref<1x8x1024xf32, #tpu.memory_space<vmem>>
    %dma_wait3A_231 = tpu.memref_squeeze %dma_wait3A_230 : memref<1x8x1024xf32, #tpu.memory_space<vmem>> -> memref<8x1024xf32, #tpu.memory_space<vmem>>
    tpu.wait_dma2 semaphore(%arg8 : memref<!tpu.dma_semaphore, #tpu.memory_space<semaphore_mem>>) src(%dma_wait3A_231 : memref<8x1024xf32, #tpu.memory_space<vmem>>) dst(%dma_wait3A_227 : memref<8x1024xf32, #tpu.memory_space<hbm>>)
    %add3A_232 = arith.constant 440 : i32
    %add3A_233 = arith.addi %mul3A_2, %add3A_232 : i32
    %dma_wait3A_234 = arith.constant 10 : i32
    %dma_wait3A_235 = arith.constant 0 : i32
    %dma_wait3A_236 = arith.constant 0 : i32
    %dma_wait3A_237 = tpu.memref_slice %arg6[%dma_wait3A_234, %dma_wait3A_235, %dma_wait3A_236] : memref<15x8x1024xf32, #tpu.memory_space<vmem>> -> memref<1x8x1024xf32, #tpu.memory_space<vmem>>
    %dma_wait3A_238 = tpu.memref_squeeze %dma_wait3A_237 : memref<1x8x1024xf32, #tpu.memory_space<vmem>> -> memref<8x1024xf32, #tpu.memory_space<vmem>>
    %dma_wait3A_239 = arith.constant 0 : i32
    %dma_wait3A_240 = tpu.memref_slice %arg4[%add3A_233, %dma_wait3A_239] : memref<16384x1024xf32, #tpu.memory_space<hbm>> -> memref<8x1024xf32, #tpu.memory_space<hbm>>
    %dma_wait3A_241 = arith.constant 0 : i32
    %dma_wait3A_242 = tpu.memref_slice %arg4[%add3A_233, %dma_wait3A_241] : memref<16384x1024xf32, #tpu.memory_space<hbm>> -> memref<8x1024xf32, #tpu.memory_space<hbm>>
    %dma_wait3A_243 = arith.constant 0 : i32
    %dma_wait3A_244 = arith.constant 0 : i32
    %dma_wait3A_245 = tpu.memref_slice %arg6[%dma_wait3A_234, %dma_wait3A_243, %dma_wait3A_244] : memref<15x8x1024xf32, #tpu.memory_space<vmem>> -> memref<1x8x1024xf32, #tpu.memory_space<vmem>>
    %dma_wait3A_246 = tpu.memref_squeeze %dma_wait3A_245 : memref<1x8x1024xf32, #tpu.memory_space<vmem>> -> memref<8x1024xf32, #tpu.memory_space<vmem>>
    tpu.wait_dma2 semaphore(%arg8 : memref<!tpu.dma_semaphore, #tpu.memory_space<semaphore_mem>>) src(%dma_wait3A_246 : memref<8x1024xf32, #tpu.memory_space<vmem>>) dst(%dma_wait3A_242 : memref<8x1024xf32, #tpu.memory_space<hbm>>)
    %add3A_247 = arith.constant 448 : i32
    %add3A_248 = arith.addi %mul3A_2, %add3A_247 : i32
    %dma_wait3A_249 = arith.constant 11 : i32
    %dma_wait3A_250 = arith.constant 0 : i32
    %dma_wait3A_251 = arith.constant 0 : i32
    %dma_wait3A_252 = tpu.memref_slice %arg6[%dma_wait3A_249, %dma_wait3A_250, %dma_wait3A_251] : memref<15x8x1024xf32, #tpu.memory_space<vmem>> -> memref<1x8x1024xf32, #tpu.memory_space<vmem>>
    %dma_wait3A_253 = tpu.memref_squeeze %dma_wait3A_252 : memref<1x8x1024xf32, #tpu.memory_space<vmem>> -> memref<8x1024xf32, #tpu.memory_space<vmem>>
    %dma_wait3A_254 = arith.constant 0 : i32
    %dma_wait3A_255 = tpu.memref_slice %arg4[%add3A_248, %dma_wait3A_254] : memref<16384x1024xf32, #tpu.memory_space<hbm>> -> memref<8x1024xf32, #tpu.memory_space<hbm>>
    %dma_wait3A_256 = arith.constant 0 : i32
    %dma_wait3A_257 = tpu.memref_slice %arg4[%add3A_248, %dma_wait3A_256] : memref<16384x1024xf32, #tpu.memory_space<hbm>> -> memref<8x1024xf32, #tpu.memory_space<hbm>>
    %dma_wait3A_258 = arith.constant 0 : i32
    %dma_wait3A_259 = arith.constant 0 : i32
    %dma_wait3A_260 = tpu.memref_slice %arg6[%dma_wait3A_249, %dma_wait3A_258, %dma_wait3A_259] : memref<15x8x1024xf32, #tpu.memory_space<vmem>> -> memref<1x8x1024xf32, #tpu.memory_space<vmem>>
    %dma_wait3A_261 = tpu.memref_squeeze %dma_wait3A_260 : memref<1x8x1024xf32, #tpu.memory_space<vmem>> -> memref<8x1024xf32, #tpu.memory_space<vmem>>
    tpu.wait_dma2 semaphore(%arg8 : memref<!tpu.dma_semaphore, #tpu.memory_space<semaphore_mem>>) src(%dma_wait3A_261 : memref<8x1024xf32, #tpu.memory_space<vmem>>) dst(%dma_wait3A_257 : memref<8x1024xf32, #tpu.memory_space<hbm>>)
    %add3A_262 = arith.constant 456 : i32
    %add3A_263 = arith.addi %mul3A_2, %add3A_262 : i32
    %dma_wait3A_264 = arith.constant 12 : i32
    %dma_wait3A_265 = arith.constant 0 : i32
    %dma_wait3A_266 = arith.constant 0 : i32
    %dma_wait3A_267 = tpu.memref_slice %arg6[%dma_wait3A_264, %dma_wait3A_265, %dma_wait3A_266] : memref<15x8x1024xf32, #tpu.memory_space<vmem>> -> memref<1x8x1024xf32, #tpu.memory_space<vmem>>
    %dma_wait3A_268 = tpu.memref_squeeze %dma_wait3A_267 : memref<1x8x1024xf32, #tpu.memory_space<vmem>> -> memref<8x1024xf32, #tpu.memory_space<vmem>>
    %dma_wait3A_269 = arith.constant 0 : i32
    %dma_wait3A_270 = tpu.memref_slice %arg4[%add3A_263, %dma_wait3A_269] : memref<16384x1024xf32, #tpu.memory_space<hbm>> -> memref<8x1024xf32, #tpu.memory_space<hbm>>
    %dma_wait3A_271 = arith.constant 0 : i32
    %dma_wait3A_272 = tpu.memref_slice %arg4[%add3A_263, %dma_wait3A_271] : memref<16384x1024xf32, #tpu.memory_space<hbm>> -> memref<8x1024xf32, #tpu.memory_space<hbm>>
    %dma_wait3A_273 = arith.constant 0 : i32
    %dma_wait3A_274 = arith.constant 0 : i32
    %dma_wait3A_275 = tpu.memref_slice %arg6[%dma_wait3A_264, %dma_wait3A_273, %dma_wait3A_274] : memref<15x8x1024xf32, #tpu.memory_space<vmem>> -> memref<1x8x1024xf32, #tpu.memory_space<vmem>>
    %dma_wait3A_276 = tpu.memref_squeeze %dma_wait3A_275 : memref<1x8x1024xf32, #tpu.memory_space<vmem>> -> memref<8x1024xf32, #tpu.memory_space<vmem>>
    tpu.wait_dma2 semaphore(%arg8 : memref<!tpu.dma_semaphore, #tpu.memory_space<semaphore_mem>>) src(%dma_wait3A_276 : memref<8x1024xf32, #tpu.memory_space<vmem>>) dst(%dma_wait3A_272 : memref<8x1024xf32, #tpu.memory_space<hbm>>)
    %add3A_277 = arith.constant 464 : i32
    %add3A_278 = arith.addi %mul3A_2, %add3A_277 : i32
    %dma_wait3A_279 = arith.constant 13 : i32
    %dma_wait3A_280 = arith.constant 0 : i32
    %dma_wait3A_281 = arith.constant 0 : i32
    %dma_wait3A_282 = tpu.memref_slice %arg6[%dma_wait3A_279, %dma_wait3A_280, %dma_wait3A_281] : memref<15x8x1024xf32, #tpu.memory_space<vmem>> -> memref<1x8x1024xf32, #tpu.memory_space<vmem>>
    %dma_wait3A_283 = tpu.memref_squeeze %dma_wait3A_282 : memref<1x8x1024xf32, #tpu.memory_space<vmem>> -> memref<8x1024xf32, #tpu.memory_space<vmem>>
    %dma_wait3A_284 = arith.constant 0 : i32
    %dma_wait3A_285 = tpu.memref_slice %arg4[%add3A_278, %dma_wait3A_284] : memref<16384x1024xf32, #tpu.memory_space<hbm>> -> memref<8x1024xf32, #tpu.memory_space<hbm>>
    %dma_wait3A_286 = arith.constant 0 : i32
    %dma_wait3A_287 = tpu.memref_slice %arg4[%add3A_278, %dma_wait3A_286] : memref<16384x1024xf32, #tpu.memory_space<hbm>> -> memref<8x1024xf32, #tpu.memory_space<hbm>>
    %dma_wait3A_288 = arith.constant 0 : i32
    %dma_wait3A_289 = arith.constant 0 : i32
    %dma_wait3A_290 = tpu.memref_slice %arg6[%dma_wait3A_279, %dma_wait3A_288, %dma_wait3A_289] : memref<15x8x1024xf32, #tpu.memory_space<vmem>> -> memref<1x8x1024xf32, #tpu.memory_space<vmem>>
    %dma_wait3A_291 = tpu.memref_squeeze %dma_wait3A_290 : memref<1x8x1024xf32, #tpu.memory_space<vmem>> -> memref<8x1024xf32, #tpu.memory_space<vmem>>
    tpu.wait_dma2 semaphore(%arg8 : memref<!tpu.dma_semaphore, #tpu.memory_space<semaphore_mem>>) src(%dma_wait3A_291 : memref<8x1024xf32, #tpu.memory_space<vmem>>) dst(%dma_wait3A_287 : memref<8x1024xf32, #tpu.memory_space<hbm>>)
    %add3A_292 = arith.constant 472 : i32
    %add3A_293 = arith.addi %mul3A_2, %add3A_292 : i32
    %dma_wait3A_294 = arith.constant 14 : i32
    %dma_wait3A_295 = arith.constant 0 : i32
    %dma_wait3A_296 = arith.constant 0 : i32
    %dma_wait3A_297 = tpu.memref_slice %arg6[%dma_wait3A_294, %dma_wait3A_295, %dma_wait3A_296] : memref<15x8x1024xf32, #tpu.memory_space<vmem>> -> memref<1x8x1024xf32, #tpu.memory_space<vmem>>
    %dma_wait3A_298 = tpu.memref_squeeze %dma_wait3A_297 : memref<1x8x1024xf32, #tpu.memory_space<vmem>> -> memref<8x1024xf32, #tpu.memory_space<vmem>>
    %dma_wait3A_299 = arith.constant 0 : i32
    %dma_wait3A_300 = tpu.memref_slice %arg4[%add3A_293, %dma_wait3A_299] : memref<16384x1024xf32, #tpu.memory_space<hbm>> -> memref<8x1024xf32, #tpu.memory_space<hbm>>
    %dma_wait3A_301 = arith.constant 0 : i32
    %dma_wait3A_302 = tpu.memref_slice %arg4[%add3A_293, %dma_wait3A_301] : memref<16384x1024xf32, #tpu.memory_space<hbm>> -> memref<8x1024xf32, #tpu.memory_space<hbm>>
    %dma_wait3A_303 = arith.constant 0 : i32
    %dma_wait3A_304 = arith.constant 0 : i32
    %dma_wait3A_305 = tpu.memref_slice %arg6[%dma_wait3A_294, %dma_wait3A_303, %dma_wait3A_304] : memref<15x8x1024xf32, #tpu.memory_space<vmem>> -> memref<1x8x1024xf32, #tpu.memory_space<vmem>>
    %dma_wait3A_306 = tpu.memref_squeeze %dma_wait3A_305 : memref<1x8x1024xf32, #tpu.memory_space<vmem>> -> memref<8x1024xf32, #tpu.memory_space<vmem>>
    tpu.wait_dma2 semaphore(%arg8 : memref<!tpu.dma_semaphore, #tpu.memory_space<semaphore_mem>>) src(%dma_wait3A_306 : memref<8x1024xf32, #tpu.memory_space<vmem>>) dst(%dma_wait3A_302 : memref<8x1024xf32, #tpu.memory_space<hbm>>)
    %add3A_307 = arith.constant 480 : i32
    %add3A_308 = arith.addi %mul3A_2, %add3A_307 : i32
    %dma_wait3A_309 = arith.constant 0 : i32
    %dma_wait3A_310 = arith.constant 0 : i32
    %dma_wait3A_311 = arith.constant 0 : i32
    %dma_wait3A_312 = tpu.memref_slice %arg6[%dma_wait3A_309, %dma_wait3A_310, %dma_wait3A_311] : memref<15x8x1024xf32, #tpu.memory_space<vmem>> -> memref<1x8x1024xf32, #tpu.memory_space<vmem>>
    %dma_wait3A_313 = tpu.memref_squeeze %dma_wait3A_312 : memref<1x8x1024xf32, #tpu.memory_space<vmem>> -> memref<8x1024xf32, #tpu.memory_space<vmem>>
    %dma_wait3A_314 = arith.constant 0 : i32
    %dma_wait3A_315 = tpu.memref_slice %arg4[%add3A_308, %dma_wait3A_314] : memref<16384x1024xf32, #tpu.memory_space<hbm>> -> memref<8x1024xf32, #tpu.memory_space<hbm>>
    %dma_wait3A_316 = arith.constant 0 : i32
    %dma_wait3A_317 = tpu.memref_slice %arg4[%add3A_308, %dma_wait3A_316] : memref<16384x1024xf32, #tpu.memory_space<hbm>> -> memref<8x1024xf32, #tpu.memory_space<hbm>>
    %dma_wait3A_318 = arith.constant 0 : i32
    %dma_wait3A_319 = arith.constant 0 : i32
    %dma_wait3A_320 = tpu.memref_slice %arg6[%dma_wait3A_309, %dma_wait3A_318, %dma_wait3A_319] : memref<15x8x1024xf32, #tpu.memory_space<vmem>> -> memref<1x8x1024xf32, #tpu.memory_space<vmem>>
    %dma_wait3A_321 = tpu.memref_squeeze %dma_wait3A_320 : memref<1x8x1024xf32, #tpu.memory_space<vmem>> -> memref<8x1024xf32, #tpu.memory_space<vmem>>
    tpu.wait_dma2 semaphore(%arg8 : memref<!tpu.dma_semaphore, #tpu.memory_space<semaphore_mem>>) src(%dma_wait3A_321 : memref<8x1024xf32, #tpu.memory_space<vmem>>) dst(%dma_wait3A_317 : memref<8x1024xf32, #tpu.memory_space<hbm>>)
    %add3A_322 = arith.constant 488 : i32
    %add3A_323 = arith.addi %mul3A_2, %add3A_322 : i32
    %dma_wait3A_324 = arith.constant 1 : i32
    %dma_wait3A_325 = arith.constant 0 : i32
    %dma_wait3A_326 = arith.constant 0 : i32
    %dma_wait3A_327 = tpu.memref_slice %arg6[%dma_wait3A_324, %dma_wait3A_325, %dma_wait3A_326] : memref<15x8x1024xf32, #tpu.memory_space<vmem>> -> memref<1x8x1024xf32, #tpu.memory_space<vmem>>
    %dma_wait3A_328 = tpu.memref_squeeze %dma_wait3A_327 : memref<1x8x1024xf32, #tpu.memory_space<vmem>> -> memref<8x1024xf32, #tpu.memory_space<vmem>>
    %dma_wait3A_329 = arith.constant 0 : i32
    %dma_wait3A_330 = tpu.memref_slice %arg4[%add3A_323, %dma_wait3A_329] : memref<16384x1024xf32, #tpu.memory_space<hbm>> -> memref<8x1024xf32, #tpu.memory_space<hbm>>
    %dma_wait3A_331 = arith.constant 0 : i32
    %dma_wait3A_332 = tpu.memref_slice %arg4[%add3A_323, %dma_wait3A_331] : memref<16384x1024xf32, #tpu.memory_space<hbm>> -> memref<8x1024xf32, #tpu.memory_space<hbm>>
    %dma_wait3A_333 = arith.constant 0 : i32
    %dma_wait3A_334 = arith.constant 0 : i32
    %dma_wait3A_335 = tpu.memref_slice %arg6[%dma_wait3A_324, %dma_wait3A_333, %dma_wait3A_334] : memref<15x8x1024xf32, #tpu.memory_space<vmem>> -> memref<1x8x1024xf32, #tpu.memory_space<vmem>>
    %dma_wait3A_336 = tpu.memref_squeeze %dma_wait3A_335 : memref<1x8x1024xf32, #tpu.memory_space<vmem>> -> memref<8x1024xf32, #tpu.memory_space<vmem>>
    tpu.wait_dma2 semaphore(%arg8 : memref<!tpu.dma_semaphore, #tpu.memory_space<semaphore_mem>>) src(%dma_wait3A_336 : memref<8x1024xf32, #tpu.memory_space<vmem>>) dst(%dma_wait3A_332 : memref<8x1024xf32, #tpu.memory_space<hbm>>)
    %add3A_337 = arith.constant 496 : i32
    %add3A_338 = arith.addi %mul3A_2, %add3A_337 : i32
    %dma_wait3A_339 = arith.constant 2 : i32
    %dma_wait3A_340 = arith.constant 0 : i32
    %dma_wait3A_341 = arith.constant 0 : i32
    %dma_wait3A_342 = tpu.memref_slice %arg6[%dma_wait3A_339, %dma_wait3A_340, %dma_wait3A_341] : memref<15x8x1024xf32, #tpu.memory_space<vmem>> -> memref<1x8x1024xf32, #tpu.memory_space<vmem>>
    %dma_wait3A_343 = tpu.memref_squeeze %dma_wait3A_342 : memref<1x8x1024xf32, #tpu.memory_space<vmem>> -> memref<8x1024xf32, #tpu.memory_space<vmem>>
    %dma_wait3A_344 = arith.constant 0 : i32
    %dma_wait3A_345 = tpu.memref_slice %arg4[%add3A_338, %dma_wait3A_344] : memref<16384x1024xf32, #tpu.memory_space<hbm>> -> memref<8x1024xf32, #tpu.memory_space<hbm>>
    %dma_wait3A_346 = arith.constant 0 : i32
    %dma_wait3A_347 = tpu.memref_slice %arg4[%add3A_338, %dma_wait3A_346] : memref<16384x1024xf32, #tpu.memory_space<hbm>> -> memref<8x1024xf32, #tpu.memory_space<hbm>>
    %dma_wait3A_348 = arith.constant 0 : i32
    %dma_wait3A_349 = arith.constant 0 : i32
    %dma_wait3A_350 = tpu.memref_slice %arg6[%dma_wait3A_339, %dma_wait3A_348, %dma_wait3A_349] : memref<15x8x1024xf32, #tpu.memory_space<vmem>> -> memref<1x8x1024xf32, #tpu.memory_space<vmem>>
    %dma_wait3A_351 = tpu.memref_squeeze %dma_wait3A_350 : memref<1x8x1024xf32, #tpu.memory_space<vmem>> -> memref<8x1024xf32, #tpu.memory_space<vmem>>
    tpu.wait_dma2 semaphore(%arg8 : memref<!tpu.dma_semaphore, #tpu.memory_space<semaphore_mem>>) src(%dma_wait3A_351 : memref<8x1024xf32, #tpu.memory_space<vmem>>) dst(%dma_wait3A_347 : memref<8x1024xf32, #tpu.memory_space<hbm>>)
    %add3A_352 = arith.constant 504 : i32
    %add3A_353 = arith.addi %mul3A_2, %add3A_352 : i32
    %dma_wait3A_354 = arith.constant 3 : i32
    %dma_wait3A_355 = arith.constant 0 : i32
    %dma_wait3A_356 = arith.constant 0 : i32
    %dma_wait3A_357 = tpu.memref_slice %arg6[%dma_wait3A_354, %dma_wait3A_355, %dma_wait3A_356] : memref<15x8x1024xf32, #tpu.memory_space<vmem>> -> memref<1x8x1024xf32, #tpu.memory_space<vmem>>
    %dma_wait3A_358 = tpu.memref_squeeze %dma_wait3A_357 : memref<1x8x1024xf32, #tpu.memory_space<vmem>> -> memref<8x1024xf32, #tpu.memory_space<vmem>>
    %dma_wait3A_359 = arith.constant 0 : i32
    %dma_wait3A_360 = tpu.memref_slice %arg4[%add3A_353, %dma_wait3A_359] : memref<16384x1024xf32, #tpu.memory_space<hbm>> -> memref<8x1024xf32, #tpu.memory_space<hbm>>
    %dma_wait3A_361 = arith.constant 0 : i32
    %dma_wait3A_362 = tpu.memref_slice %arg4[%add3A_353, %dma_wait3A_361] : memref<16384x1024xf32, #tpu.memory_space<hbm>> -> memref<8x1024xf32, #tpu.memory_space<hbm>>
    %dma_wait3A_363 = arith.constant 0 : i32
    %dma_wait3A_364 = arith.constant 0 : i32
    %dma_wait3A_365 = tpu.memref_slice %arg6[%dma_wait3A_354, %dma_wait3A_363, %dma_wait3A_364] : memref<15x8x1024xf32, #tpu.memory_space<vmem>> -> memref<1x8x1024xf32, #tpu.memory_space<vmem>>
    %dma_wait3A_366 = tpu.memref_squeeze %dma_wait3A_365 : memref<1x8x1024xf32, #tpu.memory_space<vmem>> -> memref<8x1024xf32, #tpu.memory_space<vmem>>
    tpu.wait_dma2 semaphore(%arg8 : memref<!tpu.dma_semaphore, #tpu.memory_space<semaphore_mem>>) src(%dma_wait3A_366 : memref<8x1024xf32, #tpu.memory_space<vmem>>) dst(%dma_wait3A_362 : memref<8x1024xf32, #tpu.memory_space<hbm>>)
    return
  }
}

</mosaic_0001>

<sc_bundles>
// kernel: kernel.3.cloned.1.call-start
scs
__scs_entry_jumppad:
0x0: {  	(pc) =	sbr.rel $0x88, $3  }
0x1: {  	(tag) =	ssettag $0x0;
	lr =	simm.s32 $0x1  }
0x2: {  	[smem:$0x3F9F] =	sst lr;
	_ =	strace $0xD0000000  }
0x3: {  	_ = 	snop  }
0x4: {  	_ = 	snop  }
0x5: {  	_ = 	snop  }
0x6: {  	_ = 	snop  }
0x7: {  	_ = 	snop  }
__scs_overlays_trampoline_lowered:
0x8: {  	[smem:$0x3FAE] =	sst s0  }
0x9: {  	[smem:$0x3FAF] =	sst s1  }
0xa: {  	[smem:$0x3FB0] =	sst s2  }
0xb: {  	[smem:$0x3FB1] =	sst s3  }
0xc: {  	[smem:$0x3FB2] =	sst s4  }
0xd: {  	[smem:$0x3FB3] =	sst s5  }
0xe: {  	[smem:$0x3FB4] =	sst s6  }
0xf: {  	[smem:$0x3FB5] =	sst s7  }
0x10: {  	[smem:$0x3FB6] =	sst s8  }
0x11: {  	[smem:$0x3FB7] =	sst s9;
	s0 =	simm.s32 @!p0 $0x0  }
0x12: {  	s1 =	sld [smem:$0x3F9D];
	s0 =	simm.s32 @p0 $0x1  }
0x13: {  	[smem:$0x3FB8] =	sst s0;
	s0 =	simm.s32 @!p1 $0x0  }
0x14: {  	s2 =	sld [smem:$0x3F9C];
	s0 =	simm.s32 @p1 $0x1  }
0x15: {  	[smem:$0x3FB9] =	sst s0;
	s0 =	simm.s32 @!p2 $0x0  }
0x16: {  	s3 =	sld [smem:$0x3FDB];
	s0 =	simm.s32 @p2 $0x1  }
0x17: {  	s4 =	simm.s32 $0x1BF5;
	[smem:$0x3FBB] =	sst s0  }
0x18: {  	s0 =	sld [smem:$0x3F9E];
	_ =	swait.ge [sflag:s4], $0x0  }
0x19: {  	s7 =	sld [smem:$0x3F9F]  }
0x1a: {  	s8 =	sadd.s32 $0xFFFFE003, lr  }
0x1b: {  	s9 =	sadd.s32 $0xFFFFFEF7, lr;
	s5 =	simm.s32 $0xFFFFFFFF;
	p2 =	slt.u32 s8, $0xFFFFF086  }
0x1c: {  	p1 =	slt.u32 s9, $0xF7A;
	s5 =	simm.s32 @!p2 $0x0  }
0x1d: {  	s5 =	simm.s32 @p1 $0x1;
	p0 =	seq.s32 s7, s2  }
0x1e: {  	s7 =	smul.u32 @!p0 $0xF7A, s2;
	p2 =	seq.s32 @!p0 s5, $0x0  }
0x1f: {  	s9 =	smul.u32 $0xF7A, s1;
	s8 =	simm.s32 @!p0 $0x1BF5;
	p2 =	por !p2, p0  }
0x20: {  	[sflag:s8] =	ssyncset.s32 @!p0 $0xFFFFF086;
	s6 =	sadd.s32 @!p0 s3, s7;
	s7 =	simm.s32 @!p0 $0x108  }
0x21: {  	s3 =	sadd.s32 s3, s9;
	s6 =	sadd.s32 @!p0 $0x88, s6;
	s7 =	simm.s32 @p2 $0x1082  }
0x22: {  	[simem:s7], [sflag:s8] =	dma.local @!p0 [hbm:s6], $0xF7A  }
0x23: {  	s9 =	sor.u32 $0xD0000000, s2;
	s6 =	simm.s32 $0x108;
	_ =	swait.ge @!p0 [sflag:s8], $0x0  }
0x24: {  	s3 =	sadd.s32 $0x88, s3;
	s6 =	simm.s32 @!p1 $0x1082;
	[sflag:s4] =	ssyncset.s32 $0xFFFFF086  }
0x25: {  	[simem:s6], [sflag:s4] =	dma.local [hbm:s3], $0xF7A  }
0x26: {  	[smem:$0x3F9F] =	sst s1;
	(tag) =	ssettag s2;
	_ =	strace s9  }
0x27: {  	s1 =	sld [smem:$0x3FAF]  }
0x28: {  	s2 =	sld [smem:$0x3FB0]  }
0x29: {  	s4 =	sld [smem:$0x3FB2]  }
0x2a: {  	p0 =	seq.s32 s5, $0x0;
	s5 =	sld [smem:$0x3FB3]  }
0x2b: {  	s6 =	sld [smem:$0x3FB4]  }
0x2c: {  	s7 =	sld [smem:$0x3FB5]  }
0x2d: {  	s3 =	simm.s32 $0x108;
	s8 =	sld [smem:$0x3FB6]  }
0x2e: {  	s3 =	simm.s32 @!p0 $0x1082;
	s9 =	sld [smem:$0x3FB7]  }
0x2f: {  	lr =	sadd.s32 s0, s3;
	s0 =	sld [smem:$0x3FAE]  }
0x30: {  	s3 =	sld [smem:$0x3FB1]  }
0x31: {  	[smem:$0x3FBA] =	sst s10  }
0x32: {  	s10 =	sld [smem:$0x3FB8];
	_ =	sdelay $0x3  }
0x33: {  	p0 =	seq.s32 s10, $0x1;
	s10 =	sld [smem:$0x3FBA];
	_ =	sdelay $0x3  }
0x34: {  	[smem:$0x3FBA] =	sst s10  }
0x35: {  	s10 =	sld [smem:$0x3FB9];
	_ =	sdelay $0x3  }
0x36: {  	p1 =	seq.s32 s10, $0x1;
	s10 =	sld [smem:$0x3FBA];
	_ =	sdelay $0x3  }
0x37: {  	[smem:$0x3FBA] =	sst s10  }
0x38: {  	s10 =	sld [smem:$0x3FBB]  }
0x39: {  	_ = 	snop;
	(pc) =	sbr.ind lr, $3  }
0x3a: {  	_ = 	snop  }
0x3b: {  	_ = 	snop  }
0x3c: {  	p2 =	seq.s32 s10, $0x1;
	s10 =	sld [smem:$0x3FBA]  }
0x3d: {  	_ =	shalt  }
0x3e: {  	_ =	shalt  }
0x3f: {  	_ =	shalt  }
0x40: {  	_ =	shalt  }
0x41: {  	_ =	shalt  }
0x42: {  	_ =	shalt  }
0x43: {  	_ =	shalt  }
0x44: {  	_ =	shalt  }
0x45: {  	_ =	shalt  }
0x46: {  	_ =	shalt  }
0x47: {  	_ =	shalt  }
0x48: {  	_ =	shalt  }
0x49: {  	_ =	shalt  }
0x4a: {  	_ =	shalt  }
0x4b: {  	_ =	shalt  }
0x4c: {  	_ =	shalt  }
0x4d: {  	_ =	shalt  }
0x4e: {  	_ =	shalt  }
0x4f: {  	_ =	shalt  }
0x50: {  	_ =	shalt  }
0x51: {  	_ =	shalt  }
0x52: {  	_ =	shalt  }
0x53: {  	_ =	shalt  }
0x54: {  	_ =	shalt  }
0x55: {  	_ =	shalt  }
0x56: {  	_ =	shalt  }
0x57: {  	_ =	shalt  }
0x58: {  	_ =	shalt  }
0x59: {  	_ =	shalt  }
0x5a: {  	_ =	shalt  }
0x5b: {  	_ =	shalt  }
0x5c: {  	_ =	shalt  }
0x5d: {  	_ =	shalt  }
0x5e: {  	_ =	shalt  }
0x5f: {  	_ =	shalt  }
0x60: {  	_ =	shalt  }
0x61: {  	_ =	shalt  }
0x62: {  	_ =	shalt  }
0x63: {  	_ =	shalt  }
0x64: {  	_ =	shalt  }
0x65: {  	_ =	shalt  }
0x66: {  	_ =	shalt  }
0x67: {  	_ =	shalt  }
0x68: {  	_ =	shalt  }
0x69: {  	_ =	shalt  }
0x6a: {  	_ =	shalt  }
0x6b: {  	_ =	shalt  }
0x6c: {  	_ =	shalt  }
0x6d: {  	_ =	shalt  }
0x6e: {  	_ =	shalt  }
0x6f: {  	_ =	shalt  }
0x70: {  	_ =	shalt  }
0x71: {  	_ =	shalt  }
0x72: {  	_ =	shalt  }
0x73: {  	_ =	shalt  }
0x74: {  	_ =	shalt  }
0x75: {  	_ =	shalt  }
0x76: {  	_ =	shalt  }
0x77: {  	_ =	shalt  }
0x78: {  	_ =	shalt  }
0x79: {  	_ =	shalt  }
0x7a: {  	_ =	shalt  }
0x7b: {  	_ =	shalt  }
0x7c: {  	_ =	shalt  }
0x7d: {  	_ =	shalt  }
0x7e: {  	_ =	shalt  }
0x7f: {  	_ =	shalt  }
0x80: {  	_ =	shalt  }
0x81: {  	_ =	shalt  }
0x82: {  	_ =	shalt  }
0x83: {  	_ =	shalt  }
0x84: {  	_ =	shalt  }
0x85: {  	_ =	shalt  }
0x86: {  	_ =	shalt  }
0x87: {  	_ =	shalt  }
.Lfunc_end0:
.L_simem_size_0:
called_computation_lowered:
.L_overlay_start_0:
0x88: {  	s2 =	sld [smem:$0x3FD9]  }
0x89: {  	s3 =	sld [smem:$0x3FFE];
	_ =	sdelay $0x1  }
0x8a: {  	s1 =	srdreg.scid  }
0x8b: {  	s0 =	sand.u32 $0x1, s1  }
0x8c: {  	s15 =	sshll.u32 s0, $0xA;
	s2 =	sadd.s32 s3, s2  }
0x8d: {  	s2 =	sadd.s32 s2, s15  }
0x8e: {  	[smem:$0x3FC6] =	sst s2  }
0x8f: {  	_ = 	snop  }
0x90: {  	s2 =	sld [smem:$0x3FD0];
	_ =	sdelay $0x2  }
0x91: {  	s4 =	simm.s32 $0xA;
	s5 =	simm.s32 $0x10;
	s16 =	sld [smem:$0x3FC8]  }
0x92: {  	[smem:s5], [sflag:s4] =	dma.local [hbm:s2], $0x1  }
0x93: {  	_ =	swait.eq [sflag:s4], $0x1  }
0x94: {  	[sflag:s4] =	ssyncset.done $0x0  }
0x95: {  	s17 =	sld [smem:$0x10];
	[sflag:s4] =	ssyncadd.s32 $0xFFFFFFFF  }
0x96: {  	s18 =	sld [smem:$0x11];
	(tm) =	ssettm $0x1  }
0x97: {  	s19 =	sld [smem:$0x3FFB];
	_ =	sdelay $0x3  }
0x98: {  	_ =	strace s19  }
0x99: {  	s5 =	sld [smem:$0x3FFC];
	_ =	sdelay $0x3  }
0x9a: {  	_ =	strace s5  }
0x9b: {  	s5 =	sld [smem:$0x3FFD];
	_ =	sdelay $0x3  }
0x9c: {  	_ =	strace s5  }
0x9d: {  	_ =	strace $0x8FFFFFFF  }
0x9e: {  	s20 =	sld [smem:$0x3FDB];
	_ =	sdelay $0x1  }
0x9f: {  	s6 =	simm.s32 $_scs_section_size  }
0xa0: {  	s7 =	simm.s32 $_size__tile_overlayer_lowered;
	s8 =	simm.s32 $_tile_overlayer_lowered  }
0xa1: {  	s23 =	simm.s32 $0x1BFF;
	s22 =	sshll.u32 s8, $0x1;
	s5 =	sadd.s32 s6, s20  }
0xa2: {  	s9 =	simm.s32 $0x0;
	s21 =	sshll.u32 s7, $0x1;
	s7 =	sadd.s32 s22, s5  }
0xa3: {  	[timem:s9], [sflag:s23] =	dma.local [hbm:s7], s21  }
0xa4: {  	_ =	swait.ge [sflag:s23], s21  }
0xa5: {  	s6 =	ssub.s32 $0x0, s21;
	[sflag:s23] =	ssyncset.done $0x0  }
0xa6: {  	[sflag:s23] =	ssyncadd.s32 s6;
	_ =	sdelay $0x1  }
0xa7: {  	s24 =	simm.s32 $0x1B8B  }
0xa8: {  	_ =	swait.ge [sflag:s24], $0x1  }
0xa9: {  	[sflag:s24] =	ssyncset.done $0x0  }
0xaa: {  	s25 =	simm.s32 $0x1B8E;
	[sflag:s24] =	ssyncadd.s32 $0xFFFFFFFF  }
0xab: {  	s26 =	simm.s32 $execute0_lowered;
	[smem:$0x3FD2] =	sst s25  }
0xac: {  	s6 =	sshll.u32 s26, $0x1;
	_ =	strace $0x80000046;
	[dreg:$0x1] =	wrdreg $0xFFFFFFFF  }
0xad: {  	s28 =	simm.s32 $_size_execute0_lowered;
	s5 =	sadd.s32 s5, s6;
	[dreg:$0x0] =	wrdreg $0x0  }
0xae: {  	s6 =	sshll.u32 s28, $0x1;
	[dreg:$0x2] =	wrdreg s5  }
0xaf: {  	[dreg:$0x3] =	wrdreg s6  }
0xb0: {  	[dreg:$0x4] =	wrdreg $0xC0  }
0xb1: {  	_ =	task [dreg:s9], $0x5FFFF  }
0xb2: {  	[dreg:$0x1] =	wrdreg $0xFFFFFFFF  }
0xb3: {  	[dreg:$0x0] =	wrdreg $0x60  }
0xb4: {  	[dreg:$0x2] =	wrdreg s16  }
0xb5: {  	[dreg:$0x3] =	wrdreg s18  }
0xb6: {  	[dreg:$0x4] =	wrdreg s17  }
0xb7: {  	[dreg:$0x5] =	wrdreg $0x9  }
0xb8: {  	_ =	task.clear_ibuf [dreg:s9], $0x6FFFF;
	_ =	strace $0x90000046  }
0xb9: {  	s29 =	simm.s32 $0x9;
	_ =	strace $0x80000048  }
0xba: {  	_ =	swait.ge [sflag:s29], $0x1  }
0xbb: {  	[sflag:s29] =	ssyncadd.s32 $0xFFFFFFFF  }
0xbc: {  	_ =	strace $0x90000048  }
0xbd: {  	_ =	sfence  }
0xbe: {  	s30 =	sld [smem:$0x0];
	_ =	sdelay $0x2  }
0xbf: {  	s31 =	sshll.u32 s1, $0xD;
	s1 =	sshrl.u32 s1, $0x2  }
0xc0: {  	s3 =	sand.u32 $0x4000, s31;
	s1 =	sadd.s32 s1, s30  }
0xc1: {  	s0 =	sor.u32 s3, s0;
	s1 =	sshll.u32 s1, $0x11  }
0xc2: {  	s0 =	sor.u32 s1, s0  }
0xc3: {  	s0 =	sadd.s32 $0x8F2B, s0  }
0xc4: {  	[sflag:s0] =	ssyncadd.remote.s32 $0x1  }
0xc5: {  	_ =	sfence.sel $0xFFFF  }
0xc6: {  	[dreg:$0x0] =	wrdreg $0xFFFFFFFF;
	(pc) =	sbr.abs _section_cstart, $3  }
0xc7: {  	[dreg:$0x1] =	wrdreg $0xFFFFFFFF  }
0xc8: {  	_ =	task.clear_ibuf [dreg:s9], $0x2FFFF;
	_ =	strace $0x9FFFFFFF  }
0xc9: {  	(tm) =	ssettm $0x7FFFFFFF  }
tec
execute0_lowered:
.L_overlay_start_1:
0x0: {  	(tag) =	ssettag $0x1  }
0x1: {  	s1 =	rddreg [dreg:$0x0]  }
0x2: {  	s0 =	rddreg [dreg:$0x1]  }
0x3: {  	s2 =	rddreg [dreg:$0x2];
	s3 =	srdreg.scid  }
0x4: {  	s9 =	stileid.u32;
	s28 =	simm.s32 $0x12200;
	s29 =	simm.s32 $0x12A00  }
0x5: {  	s30 =	simm.s32 $0x13200;
	s31 =	simm.s32 $0x13A00;
	s12 =	simm.s32 $0x15200  }
0x6: {  	s13 =	simm.s32 $0x15A00;
	s14 =	simm.s32 $0x2;
	s15 =	simm.s32 $0x0  }
0x7: {  	s10 =	sand.u32 $0x1, s3;
	s3 =	simm.s32 $0x0;
	s4 =	sshll.u32 s9, $0x7  }
0x8: {  	s7 =	sadd.s32 $0x200, s1;
	s8 =	sadd.s32 $0x300, s1;
	s11 =	sshll.u32 s9, $0x11  }
0x9: {  	s5 =	sshll.u32 s10, $0x6;
	[smem:$0x7FF] =	sst s3;
	s6 =	ssub.s32 $0x2, s10  }
0xa: {  	s25 =	sadd.s32 s11, s2;
	s26 =	sshll.u32 s10, $0x10;
	s11 =	simm.s32 $0x1  }
0xb: {  	s2 =	simm.s32 $0x14A00;
	s4 =	sor.u32 s5, s4;
	_ =	strace $0x80000047  }
0xc: {  	v0 =	vlaneseq.u32;
	s23 =	sshrl.u32 s6, $0x1;
	s10 =	sadd.s32 s26, s25;
	s26 =	simm.s32 $0x11A00  }
0xd: {  	v1 =	vshrl.u32 v0, $0x3;
	s4 =	sadd.s32 s0, s4;
	s24 =	ssub.s32 s6, s23;
	s6 =	sadd.s32 $0x100, s1  }
0xe: {  	vm0 =	vmmov $0xffff;
	v0 =	vand.u32 $0x7, v0;
	v1 =	vmul.u32 $0x8, v1;
	s0 =	simm.s32 $0x14200;
	s5 =	sadd.s32 $0xB, s4;
	s9 =	smax.u32 s24, $0x1  }
.LBB2_1:
0xf: {  	[tilespmem:s3], [sflag:$0x1] =	stream.linear.gather [hbm4b:s4+s3], $0x58, $0x38;
	[tilespmem:$0x1E200] =	vst v63  }
0x10: {  	s16 =	simm.s32 $0x58  }
0x11: {  	[tilespmem:s16], [sflag:$0x2] =	stream.linear.gather [hbm4b:s5+s3], $0x1A8, $0x38;
	[tilespmem:$0x1E200] =	vst v63  }
0x12: {  	_ =	swait.ge [sflag:s11], $0x58  }
0x13: {  	[sflag:s11] =	ssyncset.done $0x0  }
0x14: {  	[sflag:s11] =	ssyncadd.s32 $0xFFFFFFA8  }
0x15: {  	v2 =	vld.msk [tilespmem:$0x0], $0xff;
	_ =	sdelay $0x4  }
0x16: {  	v3 =	vshll.u32 v2, $0x3  }
0x17: {  	v2 =	vand.u32 $0x7, v2;
	v3 =	vand.u32 $0xFFFFFFC0, v3  }
0x18: {  	v2 =	vor.u32 v2, v3  }
0x19: {  	v2 =	vperm.xlane v2, v0;
	_ =	sdelay $0x1  }
0x1a: {  	v2 =	vadd.s32 v1, v2;
	_ =	sdelay $0x3  }
0x1b: {  	s17 =	simm.s32 $0x200  }
0x1c: {  	[tilespmem:s17], [sflag:$0x1] =	stream.indirect_vreg.gather [hbm4b:s1+s3], $0x80, v2, vm0, $0xb8;
	[tilespmem:$0x1E200] =	vst v63  }
0x1d: {  	s22 =	simm.s32 $0xA00  }
0x1e: {  	[tilespmem:s22], [sflag:$0x1] =	stream.indirect_vreg.gather [hbm4b:s6+s3], $0x80, v2, vm0, $0xb8;
	[tilespmem:$0x1E200] =	vst v63  }
0x1f: {  	s23 =	simm.s32 $0x1200  }
0x20: {  	[tilespmem:s23], [sflag:$0x1] =	stream.indirect_vreg.gather [hbm4b:s7+s3], $0x80, v2, vm0, $0xb8;
	[tilespmem:$0x1E200] =	vst v63  }
0x21: {  	s24 =	simm.s32 $0x1A00  }
0x22: {  	[tilespmem:s24], [sflag:$0x1] =	stream.indirect_vreg.gather [hbm4b:s8+s3], $0x80, v2, vm0, $0xb8;
	[tilespmem:$0x1E200] =	vst v63  }
0x23: {  	v2 =	vld.msk [tilespmem:$0x8], $0xff;
	_ =	sdelay $0x4  }
0x24: {  	v3 =	vshll.u32 v2, $0x3  }
0x25: {  	v2 =	vand.u32 $0x7, v2;
	v3 =	vand.u32 $0xFFFFFFC0, v3  }
0x26: {  	v2 =	vor.u32 v2, v3  }
0x27: {  	v2 =	vperm.xlane v2, v0;
	_ =	sdelay $0x1  }
0x28: {  	v2 =	vadd.s32 v1, v2;
	_ =	sdelay $0x3  }
0x29: {  	s25 =	simm.s32 $0x2200  }
0x2a: {  	[tilespmem:s25], [sflag:$0x1] =	stream.indirect_vreg.gather [hbm4b:s1+s3], $0x80, v2, vm0, $0xb8;
	[tilespmem:$0x1E200] =	vst v63  }
0x2b: {  	s18 =	simm.s32 $0x2A00  }
0x2c: {  	[tilespmem:s18], [sflag:$0x1] =	stream.indirect_vreg.gather [hbm4b:s6+s3], $0x80, v2, vm0, $0xb8;
	[tilespmem:$0x1E200] =	vst v63  }
0x2d: {  	s19 =	simm.s32 $0x3200  }
0x2e: {  	[tilespmem:s19], [sflag:$0x1] =	stream.indirect_vreg.gather [hbm4b:s7+s3], $0x80, v2, vm0, $0xb8;
	[tilespmem:$0x1E200] =	vst v63  }
0x2f: {  	s20 =	simm.s32 $0x3A00  }
0x30: {  	[tilespmem:s20], [sflag:$0x1] =	stream.indirect_vreg.gather [hbm4b:s8+s3], $0x80, v2, vm0, $0xb8;
	[tilespmem:$0x1E200] =	vst v63  }
0x31: {  	v2 =	vld.msk [tilespmem:$0x10], $0xff;
	_ =	sdelay $0x4  }
0x32: {  	v3 =	vshll.u32 v2, $0x3  }
0x33: {  	v2 =	vand.u32 $0x7, v2;
	v3 =	vand.u32 $0xFFFFFFC0, v3  }
0x34: {  	v2 =	vor.u32 v2, v3  }
0x35: {  	v2 =	vperm.xlane v2, v0;
	_ =	sdelay $0x1  }
0x36: {  	v2 =	vadd.s32 v1, v2;
	_ =	sdelay $0x3  }
0x37: {  	s21 =	simm.s32 $0x4200  }
0x38: {  	[tilespmem:s21], [sflag:$0x1] =	stream.indirect_vreg.gather [hbm4b:s1+s3], $0x80, v2, vm0, $0xb8;
	[tilespmem:$0x1E200] =	vst v63  }
0x39: {  	s22 =	simm.s32 $0x4A00  }
0x3a: {  	[tilespmem:s22], [sflag:$0x1] =	stream.indirect_vreg.gather [hbm4b:s6+s3], $0x80, v2, vm0, $0xb8;
	[tilespmem:$0x1E200] =	vst v63  }
0x3b: {  	s23 =	simm.s32 $0x5200  }
0x3c: {  	[tilespmem:s23], [sflag:$0x1] =	stream.indirect_vreg.gather [hbm4b:s7+s3], $0x80, v2, vm0, $0xb8;
	[tilespmem:$0x1E200] =	vst v63  }
0x3d: {  	s24 =	simm.s32 $0x5A00  }
0x3e: {  	[tilespmem:s24], [sflag:$0x1] =	stream.indirect_vreg.gather [hbm4b:s8+s3], $0x80, v2, vm0, $0xb8;
	[tilespmem:$0x1E200] =	vst v63  }
0x3f: {  	v2 =	vld.msk [tilespmem:$0x18], $0xff;
	_ =	sdelay $0x4  }
0x40: {  	v3 =	vshll.u32 v2, $0x3  }
0x41: {  	v2 =	vand.u32 $0x7, v2;
	v3 =	vand.u32 $0xFFFFFFC0, v3  }
0x42: {  	v2 =	vor.u32 v2, v3  }
0x43: {  	v2 =	vperm.xlane v2, v0;
	_ =	sdelay $0x1  }
0x44: {  	v2 =	vadd.s32 v1, v2;
	_ =	sdelay $0x3  }
0x45: {  	s25 =	simm.s32 $0x6200  }
0x46: {  	[tilespmem:s25], [sflag:$0x1] =	stream.indirect_vreg.gather [hbm4b:s1+s3], $0x80, v2, vm0, $0xb8;
	[tilespmem:$0x1E200] =	vst v63  }
0x47: {  	s18 =	simm.s32 $0x6A00  }
0x48: {  	[tilespmem:s18], [sflag:$0x1] =	stream.indirect_vreg.gather [hbm4b:s6+s3], $0x80, v2, vm0, $0xb8;
	[tilespmem:$0x1E200] =	vst v63  }
0x49: {  	s19 =	simm.s32 $0x7200  }
0x4a: {  	[tilespmem:s19], [sflag:$0x1] =	stream.indirect_vreg.gather [hbm4b:s7+s3], $0x80, v2, vm0, $0xb8;
	[tilespmem:$0x1E200] =	vst v63  }
0x4b: {  	s20 =	simm.s32 $0x7A00  }
0x4c: {  	[tilespmem:s20], [sflag:$0x1] =	stream.indirect_vreg.gather [hbm4b:s8+s3], $0x80, v2, vm0, $0xb8;
	[tilespmem:$0x1E200] =	vst v63  }
0x4d: {  	v2 =	vld.msk [tilespmem:$0x20], $0xff;
	_ =	sdelay $0x4  }
0x4e: {  	v3 =	vshll.u32 v2, $0x3  }
0x4f: {  	v2 =	vand.u32 $0x7, v2;
	v3 =	vand.u32 $0xFFFFFFC0, v3  }
0x50: {  	v2 =	vor.u32 v2, v3  }
0x51: {  	v2 =	vperm.xlane v2, v0;
	_ =	sdelay $0x1  }
0x52: {  	v2 =	vadd.s32 v1, v2;
	_ =	sdelay $0x3  }
0x53: {  	s21 =	simm.s32 $0x8200  }
0x54: {  	[tilespmem:s21], [sflag:$0x1] =	stream.indirect_vreg.gather [hbm4b:s1+s3], $0x80, v2, vm0, $0xb8;
	[tilespmem:$0x1E200] =	vst v63  }
0x55: {  	s22 =	simm.s32 $0x8A00  }
0x56: {  	[tilespmem:s22], [sflag:$0x1] =	stream.indirect_vreg.gather [hbm4b:s6+s3], $0x80, v2, vm0, $0xb8;
	[tilespmem:$0x1E200] =	vst v63  }
0x57: {  	s23 =	simm.s32 $0x9200  }
0x58: {  	[tilespmem:s23], [sflag:$0x1] =	stream.indirect_vreg.gather [hbm4b:s7+s3], $0x80, v2, vm0, $0xb8;
	[tilespmem:$0x1E200] =	vst v63  }
0x59: {  	s24 =	simm.s32 $0x9A00  }
0x5a: {  	[tilespmem:s24], [sflag:$0x1] =	stream.indirect_vreg.gather [hbm4b:s8+s3], $0x80, v2, vm0, $0xb8;
	[tilespmem:$0x1E200] =	vst v63  }
0x5b: {  	v2 =	vld.msk [tilespmem:$0x28], $0xff;
	_ =	sdelay $0x4  }
0x5c: {  	v3 =	vshll.u32 v2, $0x3  }
0x5d: {  	v2 =	vand.u32 $0x7, v2;
	v3 =	vand.u32 $0xFFFFFFC0, v3  }
0x5e: {  	v2 =	vor.u32 v2, v3  }
0x5f: {  	v2 =	vperm.xlane v2, v0;
	_ =	sdelay $0x1  }
0x60: {  	v2 =	vadd.s32 v1, v2;
	_ =	sdelay $0x3  }
0x61: {  	s25 =	simm.s32 $0xA200  }
0x62: {  	[tilespmem:s25], [sflag:$0x1] =	stream.indirect_vreg.gather [hbm4b:s1+s3], $0x80, v2, vm0, $0xb8;
	[tilespmem:$0x1E200] =	vst v63  }
0x63: {  	s18 =	simm.s32 $0xAA00  }
0x64: {  	[tilespmem:s18], [sflag:$0x1] =	stream.indirect_vreg.gather [hbm4b:s6+s3], $0x80, v2, vm0, $0xb8;
	[tilespmem:$0x1E200] =	vst v63  }
0x65: {  	s19 =	simm.s32 $0xB200  }
0x66: {  	[tilespmem:s19], [sflag:$0x1] =	stream.indirect_vreg.gather [hbm4b:s7+s3], $0x80, v2, vm0, $0xb8;
	[tilespmem:$0x1E200] =	vst v63  }
0x67: {  	s20 =	simm.s32 $0xBA00  }
0x68: {  	[tilespmem:s20], [sflag:$0x1] =	stream.indirect_vreg.gather [hbm4b:s8+s3], $0x80, v2, vm0, $0xb8;
	[tilespmem:$0x1E200] =	vst v63  }
0x69: {  	v2 =	vld.msk [tilespmem:$0x30], $0xff;
	_ =	sdelay $0x4  }
0x6a: {  	v3 =	vshll.u32 v2, $0x3  }
0x6b: {  	v2 =	vand.u32 $0x7, v2;
	v3 =	vand.u32 $0xFFFFFFC0, v3  }
0x6c: {  	v2 =	vor.u32 v2, v3  }
0x6d: {  	v2 =	vperm.xlane v2, v0;
	_ =	sdelay $0x1  }
0x6e: {  	v2 =	vadd.s32 v1, v2;
	_ =	sdelay $0x3  }
0x6f: {  	s21 =	simm.s32 $0xC200  }
0x70: {  	[tilespmem:s21], [sflag:$0x1] =	stream.indirect_vreg.gather [hbm4b:s1+s3], $0x80, v2, vm0, $0xb8;
	[tilespmem:$0x1E200] =	vst v63  }
0x71: {  	s22 =	simm.s32 $0xCA00  }
0x72: {  	[tilespmem:s22], [sflag:$0x1] =	stream.indirect_vreg.gather [hbm4b:s6+s3], $0x80, v2, vm0, $0xb8;
	[tilespmem:$0x1E200] =	vst v63  }
0x73: {  	s23 =	simm.s32 $0xD200  }
0x74: {  	[tilespmem:s23], [sflag:$0x1] =	stream.indirect_vreg.gather [hbm4b:s7+s3], $0x80, v2, vm0, $0xb8;
	[tilespmem:$0x1E200] =	vst v63  }
0x75: {  	s24 =	simm.s32 $0xDA00  }
0x76: {  	[tilespmem:s24], [sflag:$0x1] =	stream.indirect_vreg.gather [hbm4b:s8+s3], $0x80, v2, vm0, $0xb8;
	[tilespmem:$0x1E200] =	vst v63  }
0x77: {  	v2 =	vld.msk [tilespmem:$0x38], $0xff;
	_ =	sdelay $0x4  }
0x78: {  	v3 =	vshll.u32 v2, $0x3  }
0x79: {  	v2 =	vand.u32 $0x7, v2;
	v3 =	vand.u32 $0xFFFFFFC0, v3  }
0x7a: {  	v2 =	vor.u32 v2, v3  }
0x7b: {  	v2 =	vperm.xlane v2, v0;
	_ =	sdelay $0x1  }
0x7c: {  	v2 =	vadd.s32 v1, v2;
	_ =	sdelay $0x3  }
0x7d: {  	s25 =	simm.s32 $0xE200  }
0x7e: {  	[tilespmem:s25], [sflag:$0x1] =	stream.indirect_vreg.gather [hbm4b:s1+s3], $0x80, v2, vm0, $0xb8;
	[tilespmem:$0x1E200] =	vst v63  }
0x7f: {  	s18 =	simm.s32 $0xEA00  }
0x80: {  	[tilespmem:s18], [sflag:$0x1] =	stream.indirect_vreg.gather [hbm4b:s6+s3], $0x80, v2, vm0, $0xb8;
	[tilespmem:$0x1E200] =	vst v63  }
0x81: {  	s19 =	simm.s32 $0xF200  }
0x82: {  	[tilespmem:s19], [sflag:$0x1] =	stream.indirect_vreg.gather [hbm4b:s7+s3], $0x80, v2, vm0, $0xb8;
	[tilespmem:$0x1E200] =	vst v63  }
0x83: {  	s20 =	simm.s32 $0xFA00  }
0x84: {  	[tilespmem:s20], [sflag:$0x1] =	stream.indirect_vreg.gather [hbm4b:s8+s3], $0x80, v2, vm0, $0xb8;
	[tilespmem:$0x1E200] =	vst v63  }
0x85: {  	v2 =	vld.msk [tilespmem:$0x40], $0xff;
	_ =	sdelay $0x4  }
0x86: {  	v3 =	vshll.u32 v2, $0x3  }
0x87: {  	v2 =	vand.u32 $0x7, v2;
	v3 =	vand.u32 $0xFFFFFFC0, v3  }
0x88: {  	v2 =	vor.u32 v2, v3  }
0x89: {  	v2 =	vperm.xlane v2, v0;
	_ =	sdelay $0x1  }
0x8a: {  	v2 =	vadd.s32 v1, v2;
	_ =	sdelay $0x3  }
0x8b: {  	s21 =	simm.s32 $0x10200  }
0x8c: {  	[tilespmem:s21], [sflag:$0x1] =	stream.indirect_vreg.gather [hbm4b:s1+s3], $0x80, v2, vm0, $0xb8;
	[tilespmem:$0x1E200] =	vst v63  }
0x8d: {  	s22 =	simm.s32 $0x10A00  }
0x8e: {  	[tilespmem:s22], [sflag:$0x1] =	stream.indirect_vreg.gather [hbm4b:s6+s3], $0x80, v2, vm0, $0xb8;
	[tilespmem:$0x1E200] =	vst v63  }
0x8f: {  	s23 =	simm.s32 $0x11200  }
0x90: {  	[tilespmem:s23], [sflag:$0x1] =	stream.indirect_vreg.gather [hbm4b:s7+s3], $0x80, v2, vm0, $0xb8;
	[tilespmem:$0x1E200] =	vst v63  }
0x91: {  	_ = 	snop  }
0x92: {  	[tilespmem:s26], [sflag:$0x1] =	stream.indirect_vreg.gather [hbm4b:s8+s3], $0x80, v2, vm0, $0xb8;
	[tilespmem:$0x1E200] =	vst v63  }
0x93: {  	v2 =	vld.msk [tilespmem:$0x48], $0xff;
	_ =	sdelay $0x4  }
0x94: {  	v3 =	vshll.u32 v2, $0x3  }
0x95: {  	v2 =	vand.u32 $0x7, v2;
	v3 =	vand.u32 $0xFFFFFFC0, v3  }
0x96: {  	v2 =	vor.u32 v2, v3  }
0x97: {  	v2 =	vperm.xlane v2, v0;
	_ =	sdelay $0x1  }
0x98: {  	v2 =	vadd.s32 v1, v2;
	_ =	sdelay $0x4  }
0x99: {  	[tilespmem:s28], [sflag:$0x1] =	stream.indirect_vreg.gather [hbm4b:s1+s3], $0x80, v2, vm0, $0xb8;
	[tilespmem:$0x1E200] =	vst v63  }
0x9a: {  	_ = 	snop  }
0x9b: {  	[tilespmem:s29], [sflag:$0x1] =	stream.indirect_vreg.gather [hbm4b:s6+s3], $0x80, v2, vm0, $0xb8;
	[tilespmem:$0x1E200] =	vst v63  }
0x9c: {  	_ = 	snop  }
0x9d: {  	[tilespmem:s30], [sflag:$0x1] =	stream.indirect_vreg.gather [hbm4b:s7+s3], $0x80, v2, vm0, $0xb8;
	[tilespmem:$0x1E200] =	vst v63  }
0x9e: {  	_ = 	snop  }
0x9f: {  	[tilespmem:s31], [sflag:$0x1] =	stream.indirect_vreg.gather [hbm4b:s8+s3], $0x80, v2, vm0, $0xb8;
	[tilespmem:$0x1E200] =	vst v63  }
0xa0: {  	v2 =	vld.msk [tilespmem:$0x50], $0xff;
	_ =	sdelay $0x4  }
0xa1: {  	v3 =	vshll.u32 v2, $0x3  }
0xa2: {  	v2 =	vand.u32 $0x7, v2;
	v3 =	vand.u32 $0xFFFFFFC0, v3  }
0xa3: {  	v2 =	vor.u32 v2, v3  }
0xa4: {  	v2 =	vperm.xlane v2, v0;
	_ =	sdelay $0x1  }
0xa5: {  	v2 =	vadd.s32 v1, v2;
	_ =	sdelay $0x4  }
0xa6: {  	[tilespmem:s0], [sflag:$0x1] =	stream.indirect_vreg.gather [hbm4b:s1+s3], $0x80, v2, vm0, $0xb8;
	[tilespmem:$0x1E200] =	vst v63  }
0xa7: {  	s24 =	smul.u32 $0x89, s3  }
0xa8: {  	[tilespmem:s2], [sflag:$0x1] =	stream.indirect_vreg.gather [hbm4b:s6+s3], $0x80, v2, vm0, $0xb8;
	[tilespmem:$0x1E200] =	vst v63  }
0xa9: {  	s17 =	sshrl.u32 s24, $0xB  }
0xaa: {  	[tilespmem:s12], [sflag:$0x1] =	stream.indirect_vreg.gather [hbm4b:s7+s3], $0x80, v2, vm0, $0xb8;
	[tilespmem:$0x1E200] =	vst v63  }
0xab: {  	s17 =	sand.u32 $0x1F, s17  }
0xac: {  	[tilespmem:s13], [sflag:$0x1] =	stream.indirect_vreg.gather [hbm4b:s8+s3], $0x80, v2, vm0, $0xb8;
	[tilespmem:$0x1E200] =	vst v63  }
0xad: {  	s17 =	smul.u32 $0xF, s17;
	_ =	swait.ge [sflag:s14], $0x1A8  }
0xae: {  	[sflag:s14] =	ssyncset.done $0x0  }
0xaf: {  	s17 =	ssub.s32 $0x0, s17;
	[sflag:s14] =	ssyncadd.s32 $0xFFFFFE58  }
0xb0: {  	p0 =	por $0x0, $0x0;
	s17 =	sand.u32 $0xFF, s17;
	_ =	swait.ge [sflag:s11], $0x2000  }
0xb1: {  	p1 =	por @!p0 $0x1, $0x1;
	s17 =	sshll.u32 s17, $0xD;
	[sflag:s11] =	ssyncset.done $0x0  }
0xb2: {  	p1 =	por p1, p0;
	s17 =	sor.u32 $0x200, s17;
	[sflag:s11] =	ssyncadd.s32 $0xFFFFE000  }
0xb3: {  	[hbm4b:s10+s3] =	stream.linear.scatter [tilespmem:s17], [sflag:$0x2], $0x2000, $0x38;
	[tilespmem:$0x1E200] =	vst v63  }
0xb4: {  	s17 =	simm.s32 @!p1 $0x2  }
0xb5: {  	_ =	swait.ge @!p1 [sflag:s17], $0x2000  }
0xb6: {  	[sflag:s17] =	ssyncset.done @!p1 $0x0  }
0xb7: {  	[sflag:s17] =	ssyncadd.s32 @!p1 $0xFFFFE000  }
0xb8: {  	v2 =	vld.msk @!p0 [tilespmem:s16+$0x0], $0xff;
	_ =	sdelay $0x3  }
0xb9: {  	s16 =	simm.s32 $0xB  }
0xba: {  	s16 =	smul.u32 @!p0 $0x89, s16;
	v3 =	vshll.u32 @!p0 v2, $0x3  }
0xbb: {  	v4 =	vlaneseq.u32 @!p0;
	v2 =	vand.u32 @!p0 $0x7, v2;
	v3 =	vand.u32 @!p0 $0xFFFFFFC0, v3  }
0xbc: {  	v5 =	vand.u32 @!p0 $0x7, v4;
	v4 =	vshrl.u32 @!p0 v4, $0x3;
	s16 =	sshrl.u32 @!p0 s16, $0xB;
	v2 =	vor.u32 @!p0 v2, v3  }
0xbd: {  	s16 =	sand.u32 @!p0 $0x1F, s16;
	v3 =	vmul.u32 @!p0 $0x8, v4;
	v2 =	vperm.xlane @!p0 v2, v5  }
0xbe: {  	s17 =	simm.s32 $0x1;
	s16 =	smul.u32 @!p0 $0xF, s16  }
0xbf: {  	s24 =	smul.u32 $0x89, s17;
	v2 =	vadd.s32 @!p0 v3, v2  }
0xc0: {  	s16 =	ssub.s32 @!p0 $0xB, s16  }
0xc1: {  	s19 =	simm.s32 $0x2;
	s25 =	sshrl.u32 s24, $0xB;
	s16 =	sand.u32 @!p0 $0xFF, s16  }
0xc2: {  	s23 =	simm.s32 @!p0 $0x0;
	s24 =	sand.u32 $0x1F, s25;
	s16 =	sshll.u32 @!p0 s16, $0xD  }
0xc3: {  	vm1 =	vmmov @!p0 $0xffff;
	s18 =	sor.u32 @!p0 $0x200, s16;
	s22 =	sor.u32 @!p0 $0xA00, s16;
	s21 =	sor.u32 @!p0 $0x1200, s16  }
0xc4: {  	[tilespmem:s18], [sflag:$0x1] =	stream.indirect_vreg.gather @!p0 [hbm4b:s1+s23], $0x80, v2, vm1, $0xb8;
	[tilespmem:$0x1E200] =	vst v63  }
0xc5: {  	s20 =	sor.u32 @!p0 $0x1A00, s16;
	s16 =	simm.s32 $0x60;
	s18 =	sadd.s32 $0x400, s10  }
.LBB2_2:
0xc6: {  	[tilespmem:s22], [sflag:$0x1] =	stream.indirect_vreg.gather @!p0 [hbm4b:s6+s23], $0x80, v2, vm1, $0xb8;
	[tilespmem:$0x1E200] =	vst v63  }
0xc7: {  	s22 =	smul.u32 $0xF, s24;
	s24 =	smov.u32 s19;
	s19 =	sadd.s32 $0x1, s19  }
0xc8: {  	[tilespmem:s21], [sflag:$0x1] =	stream.indirect_vreg.gather @!p0 [hbm4b:s7+s23], $0x80, v2, vm1, $0xb8;
	[tilespmem:$0x1E200] =	vst v63  }
0xc9: {  	p1 =	sne.s32 s19, $0x40;
	s21 =	ssub.s32 s17, s22;
	s22 =	sadd.s32 $0xB, s17  }
0xca: {  	[tilespmem:s20], [sflag:$0x1] =	stream.indirect_vreg.gather @!p0 [hbm4b:s8+s23], $0x80, v2, vm1, $0xb8;
	[tilespmem:$0x1E200] =	vst v63  }
0xcb: {  	s20 =	sand.u32 $0xFF, s21;
	p0 =	sgt.u32 s17, $0x34;
	_ =	swait.ge [sflag:s11], $0x2000  }
0xcc: {  	s20 =	sshll.u32 s20, $0xD;
	p2 =	slt.u32 @!p0 s17, $0x4;
	v2 =	vlaneseq.u32 @!p0;
	[sflag:s11] =	ssyncset.done $0x0  }
0xcd: {  	s17 =	sor.u32 $0x200, s20;
	p2 =	por p2, p0;
	v3 =	vand.u32 @!p0 $0x7, v2;
	v2 =	vshrl.u32 @!p0 v2, $0x3;
	[sflag:s11] =	ssyncadd.s32 $0xFFFFE000  }
0xce: {  	v2 =	vmul.u32 @!p0 $0x8, v2;
	[hbm4b:s18+s3] =	stream.linear.scatter [tilespmem:s17], [sflag:$0x2], $0x2000, $0x38;
	[tilespmem:$0x1E200] =	vst v63  }
0xcf: {  	s20 =	smul.u32 @!p0 $0x89, s22;
	s21 =	simm.s32 @!p2 $0x2;
	s17 =	smov.u32 s24  }
0xd0: {  	_ =	swait.ge @!p2 [sflag:s21], $0x2000  }
0xd1: {  	s20 =	sshrl.u32 @!p0 s20, $0xB;
	[sflag:s21] =	ssyncset.done @!p2 $0x0  }
0xd2: {  	s20 =	sand.u32 @!p0 $0x1F, s20;
	[sflag:s21] =	ssyncadd.s32 @!p2 $0xFFFFE000  }
0xd3: {  	s20 =	smul.u32 @!p0 $0xF, s20;
	v4 =	vld.msk @!p0 [tilespmem:s16+$0x0], $0xff;
	_ =	sdelay $0x1  }
0xd4: {  	s20 =	ssub.s32 @!p0 s22, s20  }
0xd5: {  	s20 =	sand.u32 @!p0 $0xFF, s20  }
0xd6: {  	s20 =	sshll.u32 @!p0 s20, $0xD  }
0xd7: {  	s24 =	sor.u32 @!p0 $0x200, s20;
	s22 =	sor.u32 @!p0 $0xA00, s20;
	s21 =	sor.u32 @!p0 $0x1200, s20;
	v5 =	vand.u32 @!p0 $0x7, v4;
	v4 =	vshll.u32 @!p0 v4, $0x3  }
0xd8: {  	s20 =	sor.u32 @!p0 $0x1A00, s20;
	v4 =	vand.u32 @!p0 $0xFFFFFFC0, v4  }
0xd9: {  	v4 =	vor.u32 @!p0 v5, v4  }
0xda: {  	v3 =	vperm.xlane @!p0 v4, v3;
	_ =	sdelay $0x1  }
0xdb: {  	v2 =	vadd.s32 @!p0 v2, v3  }
0xdc: {  	s25 =	smul.u32 $0x89, s17  }
.Ltmp0:
0xdd: {  	(pc) =	sbr.rel @p1 .LBB2_2-.Ltmp0, $4  }
0xde: {  	vm1 =	vmmov @!p0 $0xffff;
	s23 =	simm.s32 @!p0 $0x0  }
0xdf: {  	s25 =	sshrl.u32 s25, $0xB  }
0xe0: {  	[tilespmem:s24], [sflag:$0x1] =	stream.indirect_vreg.gather @!p0 [hbm4b:s1+s23], $0x80, v2, vm1, $0xb8;
	[tilespmem:$0x1E200] =	vst v63  }
0xe1: {  	s18 =	sadd.s32 $0x400, s18;
	s16 =	sadd.s32 $0x8, s16;
	s24 =	sand.u32 $0x1F, s25  }
0xe2: {  	_ =	sdelay $0x3  }
0xe3: {  	[tilespmem:s22], [sflag:$0x1] =	stream.indirect_vreg.gather @!p0 [hbm4b:s6+s23], $0x80, v2, vm1, $0xb8;
	[tilespmem:$0x1E200] =	vst v63  }
0xe4: {  	s19 =	smul.u32 $0xF, s24  }
0xe5: {  	[tilespmem:s21], [sflag:$0x1] =	stream.indirect_vreg.gather @!p0 [hbm4b:s7+s23], $0x80, v2, vm1, $0xb8;
	[tilespmem:$0x1E200] =	vst v63  }
0xe6: {  	s19 =	ssub.s32 s17, s19  }
0xe7: {  	[tilespmem:s20], [sflag:$0x1] =	stream.indirect_vreg.gather @!p0 [hbm4b:s8+s23], $0x80, v2, vm1, $0xb8;
	[tilespmem:$0x1E200] =	vst v63  }
0xe8: {  	s19 =	sand.u32 $0xFF, s19;
	p0 =	sgt.u32 s17, $0x34;
	_ =	swait.ge [sflag:s11], $0x2000  }
0xe9: {  	s19 =	sshll.u32 s19, $0xD;
	p1 =	slt.u32 @!p0 s17, $0x4;
	[sflag:s11] =	ssyncset.done $0x0  }
0xea: {  	s19 =	sor.u32 $0x200, s19;
	p1 =	por p1, p0;
	[sflag:s11] =	ssyncadd.s32 $0xFFFFE000  }
0xeb: {  	[hbm4b:s18+s3] =	stream.linear.scatter [tilespmem:s19], [sflag:$0x2], $0x2000, $0x38;
	[tilespmem:$0x1E200] =	vst v63  }
0xec: {  	s18 =	simm.s32 @!p1 $0x2  }
0xed: {  	_ =	swait.ge @!p1 [sflag:s18], $0x2000  }
0xee: {  	[sflag:s18] =	ssyncset.done @!p1 $0x0  }
0xef: {  	[sflag:s18] =	ssyncadd.s32 @!p1 $0xFFFFE000  }
0xf0: {  	v2 =	vld.msk @!p0 [tilespmem:s16+$0x0], $0xff;
	_ =	sdelay $0x3  }
0xf1: {  	s16 =	sadd.s32 $0xB, s17  }
0xf2: {  	s17 =	smul.u32 @!p0 $0x89, s16;
	v3 =	vshll.u32 @!p0 v2, $0x3  }
0xf3: {  	v4 =	vlaneseq.u32 @!p0;
	v2 =	vand.u32 @!p0 $0x7, v2;
	v3 =	vand.u32 @!p0 $0xFFFFFFC0, v3  }
0xf4: {  	v5 =	vand.u32 @!p0 $0x7, v4;
	v4 =	vshrl.u32 @!p0 v4, $0x3;
	s17 =	sshrl.u32 @!p0 s17, $0xB;
	v2 =	vor.u32 @!p0 v2, v3  }
0xf5: {  	s17 =	sand.u32 @!p0 $0x1F, s17;
	v3 =	vmul.u32 @!p0 $0x8, v4;
	v2 =	vperm.xlane @!p0 v2, v5  }
0xf6: {  	s17 =	smul.u32 @!p0 $0xF, s17  }
0xf7: {  	v2 =	vadd.s32 @!p0 v3, v2  }
0xf8: {  	s16 =	ssub.s32 @!p0 s16, s17  }
0xf9: {  	s16 =	sand.u32 @!p0 $0xFF, s16  }
0xfa: {  	s16 =	sshll.u32 @!p0 s16, $0xD  }
0xfb: {  	vm1 =	vmmov @!p0 $0xffff;
	s18 =	simm.s32 @!p0 $0x0;
	s17 =	sor.u32 @!p0 $0x200, s16  }
0xfc: {  	[tilespmem:s17], [sflag:$0x1] =	stream.indirect_vreg.gather @!p0 [hbm4b:s1+s18], $0x80, v2, vm1, $0xb8;
	[tilespmem:$0x1E200] =	vst v63  }
0xfd: {  	s17 =	sor.u32 @!p0 $0xA00, s16  }
0xfe: {  	[tilespmem:s17], [sflag:$0x1] =	stream.indirect_vreg.gather @!p0 [hbm4b:s6+s18], $0x80, v2, vm1, $0xb8;
	[tilespmem:$0x1E200] =	vst v63  }
0xff: {  	s17 =	sor.u32 @!p0 $0x1200, s16  }
0x100: {  	[tilespmem:s17], [sflag:$0x1] =	stream.indirect_vreg.gather @!p0 [hbm4b:s7+s18], $0x80, v2, vm1, $0xb8;
	[tilespmem:$0x1E200] =	vst v63  }
0x101: {  	s16 =	sor.u32 @!p0 $0x1A00, s16  }
0x102: {  	[tilespmem:s16], [sflag:$0x1] =	stream.indirect_vreg.gather @!p0 [hbm4b:s8+s18], $0x80, v2, vm1, $0xb8;
	[tilespmem:$0x1E200] =	vst v63  }
0x103: {  	_ =	swait.ge [sflag:s14], $0x2000  }
0x104: {  	[sflag:s14] =	ssyncset.done $0x0  }
0x105: {  	[sflag:s14] =	ssyncadd.s32 $0xFFFFE000  }
0x106: {  	_ =	swait.ge [sflag:s14], $0x2000  }
0x107: {  	[sflag:s14] =	ssyncset.done $0x0  }
0x108: {  	[sflag:s14] =	ssyncadd.s32 $0xFFFFE000  }
0x109: {  	_ =	swait.ge [sflag:s14], $0x2000  }
0x10a: {  	[sflag:s14] =	ssyncset.done $0x0  }
0x10b: {  	[sflag:s14] =	ssyncadd.s32 $0xFFFFE000  }
0x10c: {  	_ =	swait.ge [sflag:s14], $0x2000  }
0x10d: {  	[sflag:s14] =	ssyncset.done $0x0  }
0x10e: {  	[sflag:s14] =	ssyncadd.s32 $0xFFFFE000  }
0x10f: {  	_ =	swait.ge [sflag:s14], $0x2000  }
0x110: {  	[sflag:s14] =	ssyncset.done $0x0  }
0x111: {  	[sflag:s14] =	ssyncadd.s32 $0xFFFFE000  }
0x112: {  	_ =	swait.ge [sflag:s14], $0x2000  }
0x113: {  	[sflag:s14] =	ssyncset.done $0x0  }
0x114: {  	[sflag:s14] =	ssyncadd.s32 $0xFFFFE000  }
0x115: {  	_ =	swait.ge [sflag:s14], $0x2000  }
0x116: {  	[sflag:s14] =	ssyncset.done $0x0  }
0x117: {  	[sflag:s14] =	ssyncadd.s32 $0xFFFFE000  }
0x118: {  	_ =	swait.ge [sflag:s14], $0x2000  }
0x119: {  	[sflag:s14] =	ssyncset.done $0x0  }
0x11a: {  	[sflag:s14] =	ssyncadd.s32 $0xFFFFE000  }
0x11b: {  	_ =	swait.ge [sflag:s14], $0x2000  }
0x11c: {  	[sflag:s14] =	ssyncset.done $0x0  }
0x11d: {  	[sflag:s14] =	ssyncadd.s32 $0xFFFFE000  }
0x11e: {  	_ =	swait.ge [sflag:s14], $0x2000  }
0x11f: {  	[sflag:s14] =	ssyncset.done $0x0  }
0x120: {  	[sflag:s14] =	ssyncadd.s32 $0xFFFFE000  }
0x121: {  	_ =	swait.ge [sflag:s14], $0x2000  }
0x122: {  	[sflag:s14] =	ssyncset.done $0x0  }
0x123: {  	[sflag:s14] =	ssyncadd.s32 $0xFFFFE000  }
0x124: {  	_ =	swait.ge [sflag:s14], $0x2000  }
0x125: {  	[sflag:s14] =	ssyncset.done $0x0  }
0x126: {  	[sflag:s14] =	ssyncadd.s32 $0xFFFFE000  }
0x127: {  	_ =	swait.ge [sflag:s14], $0x2000  }
0x128: {  	[sflag:s14] =	ssyncset.done $0x0  }
0x129: {  	s15 =	sadd.s32 $0x1, s15;
	[sflag:s14] =	ssyncadd.s32 $0xFFFFE000  }
0x12a: {  	p0 =	sne.s32 s15, s9;
	_ =	swait.ge [sflag:s14], $0x2000  }
.Ltmp1:
0x12b: {  	[sflag:s14] =	ssyncset.done $0x0;
	(pc) =	sbr.rel @p0 .LBB2_1-.Ltmp1, $4  }
0x12c: {  	[sflag:s14] =	ssyncadd.s32 $0xFFFFE000  }
0x12d: {  	_ =	swait.ge [sflag:s14], $0x2000  }
0x12e: {  	[sflag:s14] =	ssyncset.done $0x0  }
0x12f: {  	[sflag:s14] =	ssyncadd.s32 $0xFFFFE000  }
0x130: {  	_ =	sfence.sel $0x180000  }
0x131: {  	[bflag:$0x0] =	sbarrier.arrive $0xFFFF  }
0x132: {  	_ =	strace $0x90000047  }
0x133: {  	s0 =	stileid.u32;
	[bflag:$0x2] =	sbarrier.arrive $0xFFFF  }
0x134: {  	p0 =	sne.s32 s0, $0x0;
	s0 =	rddreg [dreg:$0x3]  }
0x135: {  	s0 =	sadd.s32 @!p0 $0x100000, s0  }
0x136: {  	[sflag:s0] =	ssyncadd.tile.s32 @!p0 $0x1;
	_ =	shalt  }
.Lfunc_end2:
_tile_overlayer_lowered:
.L_overlay_start_2:
0x137: {  	(tag) =	ssettag $0x2  }
0x138: {  	s0 =	rddreg [dreg:$0x0];
	s2 =	stileid.u32  }
0x139: {  	s1 =	rddreg [dreg:$0x1];
	p0 =	sne.s32 s2, $0x0  }
0x13a: {  	s3 =	rddreg [dreg:$0x2];
	[bflag:$0x3] =	sbarrier.arrive $0xFFFF;
	s2 =	simm.s32 @!p0 $0x1C03  }
0x13b: {  	[timem:s3], [sflag:s2] =	dma.local @!p0 [hbm:s0], s1  }
0x13c: {  	s0 =	simm.s32 @!p0 $0x3  }
0x13d: {  	_ =	swait.ge @!p0 [sflag:s0], s1  }
0x13e: {  	s1 =	ssub.s32 @!p0 $0x0, s1;
	[sflag:s0] =	ssyncset.done @!p0 $0x0  }
0x13f: {  	[sflag:s0] =	ssyncadd.s32 @!p0 s1  }
0x140: {  	[bflag:$0x3] =	sbarrier.arrive $0xFFFF  }
0x141: {  	_ =	shalt  }

</sc_bundles>
